<compile_context>
chip_gen: v7x
topology: tpu7x:2x2x1
jax: 0.10.2.dev20260603
libtpu: 0.0.44.dev20260713+nightly
codegen_flags: <defaults>
</compile_context>

<pallas_src>
import functools

import jax
import jax.numpy as jnp
from jax import lax
from jax.experimental import pallas as pl
from jax.experimental.pallas import tpu as pltpu
from jax.experimental.pallas import tpu_sc as plsc

N_NODES = 10000
N_PAD = 10240
F = 128
N_EDGES = 320000
NC, NS = 2, 16
CHUNK = 128
NCHUNK = 80
NCHUNK_TOT = NC * NS * NCHUNK
C_SLOW = 80
C_FAST = NCHUNK_TOT // NS - C_SLOW
MAXC = max(C_SLOW, C_FAST)
SLOW_CID = 1
E_PAD = (NCHUNK_TOT + MAXC) * CHUNK
ROWS_PER_TILE = N_PAD // NS

_sc_mesh = plsc.VectorSubcoreMesh(core_axis_name="c", subcore_axis_name="s")


@functools.partial(
    pl.kernel,
    out_type=jax.ShapeDtypeStruct((NC * NS, N_PAD), jnp.float32),
    mesh=_sc_mesh,
    compiler_params=pltpu.CompilerParams(needs_layout_passes=False),
    scratch_types=[
        pltpu.VMEM((NCHUNK, CHUNK), jnp.int32),
        pltpu.VMEM((N_PAD,), jnp.float32),
    ],
)
def _deg_kernel(dst_hbm, zeros_hbm, out_hbm, dst_v, deg_v):
    cid = lax.axis_index("c")
    sid = lax.axis_index("s")
    wid = sid * NC + cid
    pltpu.sync_copy(zeros_hbm, deg_v)
    pltpu.sync_copy(dst_hbm.at[pl.ds(wid * NCHUNK, NCHUNK)], dst_v)
    ones = jnp.ones((16,), jnp.float32)

    def body(j, carry):
        for k in range(CHUNK // 16):
            idx = dst_v[j, pl.ds(k * 16, 16)]
            plsc.addupdate_scatter(deg_v, [idx], ones)
        return carry

    lax.fori_loop(0, NCHUNK, body, 0)
    pltpu.sync_copy(deg_v, out_hbm.at[wid])


@functools.partial(
    pl.kernel,
    out_type=jax.ShapeDtypeStruct((NC, N_PAD, F), jnp.float32),
    mesh=_sc_mesh,
    scratch_types=[
        pltpu.VMEM_SHARED((N_PAD, F), jnp.float32),
        pltpu.VMEM((MAXC, CHUNK), jnp.int32),
        pltpu.VMEM((MAXC, CHUNK), jnp.int32),
        pltpu.VMEM((CHUNK, F), jnp.float32),
        pltpu.SemaphoreType.DMA,
    ],
)
def _scatter_kernel(xs_hbm, src_hbm, dst_hbm, out_hbm,
                    acc_sh, src_v, dst_v, rows_v, sem):
    cid = lax.axis_index("c")
    sid = lax.axis_index("s")
    wid = sid * NC + cid
    base = sid * ROWS_PER_TILE

    def zbody(i, c):
        for k in range(F // 16):
            rows_v[i, pl.ds(k * 16, 16)] = jnp.zeros((16,), jnp.float32)
        return c
    lax.fori_loop(0, CHUNK, zbody, 0)
    for m in range(ROWS_PER_TILE // CHUNK):
        pltpu.sync_copy(rows_v, acc_sh.at[pl.ds(base + m * CHUNK, CHUNK)])

    plsc.subcore_barrier()

    start = jnp.where(cid == SLOW_CID, sid * C_SLOW,
                      NS * C_SLOW + sid * C_FAST)
    nch = jnp.where(cid == SLOW_CID, C_SLOW, C_FAST)
    pltpu.sync_copy(src_hbm.at[pl.ds(start, MAXC)], src_v)
    pltpu.sync_copy(dst_hbm.at[pl.ds(start, MAXC)], dst_v)

    def body(j, carry):
        pltpu.async_copy(xs_hbm.at[src_v.at[j]], rows_v, sem).wait()
        pltpu.sync_copy(rows_v, acc_sh.at[dst_v.at[j]], add=True)
        return carry

    lax.fori_loop(0, nch, body, 0)

    plsc.subcore_barrier()
    pltpu.sync_copy(acc_sh.at[pl.ds(base, ROWS_PER_TILE)],
                    out_hbm.at[cid, pl.ds(base, ROWS_PER_TILE)])


BM = 512
GRID = N_PAD // BM


def _dinv(d_ref):
    deg = jnp.sum(d_ref[...], axis=0) + 1.0
    return lax.rsqrt(deg)[:, None]


def _k1_body(x_ref, w_ref, d_ref, o_ref):
    mm = jnp.dot(x_ref[...], w_ref[...], preferred_element_type=jnp.float32, precision=lax.Precision.HIGHEST)
    o_ref[...] = _dinv(d_ref) * mm


def _k2_body(p0_ref, p1_ref, xs_ref, d_ref, b_ref, w_ref, o_ref):
    dinv = _dinv(d_ref)
    h = jnp.maximum(
        dinv * (p0_ref[...] + p1_ref[...] + xs_ref[...]) + b_ref[...], 0.0)
    o_ref[...] = dinv * jnp.dot(h, w_ref[...], preferred_element_type=jnp.float32, precision=lax.Precision.HIGHEST)


def _k3_body(q0_ref, q1_ref, xs_ref, d_ref, b_ref, o_ref):
    dinv = _dinv(d_ref)
    o_ref[...] = dinv * (q0_ref[...] + q1_ref[...] + xs_ref[...]) + b_ref[...]


_row_spec = pl.BlockSpec((BM, F), lambda i: (i, 0))
_deg_spec = pl.BlockSpec((NC * NS, BM), lambda i: (0, i))
_full_spec = pl.BlockSpec((F, F), lambda i: (0, 0))
_b_spec = pl.BlockSpec((1, F), lambda i: (0, 0))
_out_t = jax.ShapeDtypeStruct((N_PAD, F), jnp.float32)

_k1 = pl.pallas_call(
    _k1_body, grid=(GRID,),
    in_specs=[_row_spec, _full_spec, _deg_spec],
    out_specs=_row_spec, out_shape=_out_t)

_k2 = pl.pallas_call(
    _k2_body, grid=(GRID,),
    in_specs=[_row_spec, _row_spec, _row_spec, _deg_spec, _b_spec, _full_spec],
    out_specs=_row_spec, out_shape=_out_t)

_k3 = pl.pallas_call(
    _k3_body, grid=(GRID,),
    in_specs=[_row_spec, _row_spec, _row_spec, _deg_spec, _b_spec],
    out_specs=_row_spec, out_shape=_out_t)


def kernel(edge_index, x, W1, b1, W2, b2):
    src = edge_index[0].astype(jnp.int32)
    dst = edge_index[1].astype(jnp.int32)
    pad = E_PAD - N_EDGES
    pad_dst = N_NODES + jnp.arange(pad, dtype=jnp.int32) % (N_PAD - N_NODES)
    pad_src = jnp.arange(pad, dtype=jnp.int32) % N_PAD
    src_p = jnp.concatenate([src, pad_src]).reshape(NCHUNK_TOT + MAXC, CHUNK)
    dst_p = jnp.concatenate([dst, pad_dst]).reshape(NCHUNK_TOT + MAXC, CHUNK)
    x_pad = jnp.zeros((N_PAD, F), jnp.float32).at[:N_NODES].set(x)
    zeros_n = jnp.zeros((N_PAD,), jnp.float32)
    b1r = b1.reshape(1, F)
    b2r = b2.reshape(1, F)

    deg = _deg_kernel(dst_p, zeros_n)

    xs1 = _k1(x_pad, W1, deg)
    acc1 = _scatter_kernel(xs1, src_p, dst_p)
    xs2 = _k2(acc1[0], acc1[1], xs1, deg, b1r, W2)
    acc2 = _scatter_kernel(xs2, src_p, dst_p)
    out = _k3(acc2[0], acc2[1], xs2, deg, b2r)
    return out[:N_NODES]

# --- scband reference (transcript-rebuilt; emitter-appended) ---
"""Pipeline reference for scband-gcn-21569325760838 (READ-ONLY COPY).

The authoritative reference and input builder live on the scoring server;
editing this copy changes nothing except your own understanding.
"""

import jax, jax.numpy as jnp
import numpy as np

N_NODES = 10000
N_EDGES = 320000
NFEATS = 128
NHIDS = 128
NOUT = 128


def gcn_conv(x, edge_index, W, b, num_nodes):
    # PyG GCNConv: add self-loops, symmetric normalization D^-1/2 (A+I) D^-1/2 X W + b
    x = x @ W
    loop = jnp.arange(num_nodes, dtype=edge_index.dtype)
    src = jnp.concatenate([edge_index[0], loop])
    dst = jnp.concatenate([edge_index[1], loop])
    ones = jnp.ones(src.shape[0], dtype=x.dtype)
    deg = jnp.zeros((num_nodes,), dtype=x.dtype).at[dst].add(ones)
    dinv = jnp.where(deg > 0, jax.lax.rsqrt(deg), 0.0)
    norm = dinv[src] * dinv[dst]
    msg = x[src] * norm[:, None]
    out = jnp.zeros((num_nodes, x.shape[1]), dtype=x.dtype).at[dst].add(msg)
    return out + b


def setup_inputs(seed: int = 0) -> dict:
    key = jax.random.key(seed)
    k1, k2, k3, k4, k5, k6 = jax.random.split(key, 6)
    edge_index = jax.random.randint(k1, (2, N_EDGES), 0, N_NODES, dtype=jnp.int64)
    x = jax.random.normal(k2, (N_NODES, NFEATS), dtype=jnp.float32)
    # Glorot-style init for GCNConv weights
    W1 = jax.random.normal(k3, (NFEATS, NHIDS), dtype=jnp.float32) * (1.0 / np.sqrt(NFEATS))
    b1 = jnp.zeros((NHIDS,), dtype=jnp.float32)
    W2 = jax.random.normal(k4, (NHIDS, NOUT), dtype=jnp.float32) * (1.0 / np.sqrt(NHIDS))
    b2 = jnp.zeros((NOUT,), dtype=jnp.float32)
    return {"edge_index": edge_index, "x": x, "W1": W1, "b1": b1, "W2": W2, "b2": b2}


def reference(edge_index, x, W1, b1, W2, b2):
    num_nodes = x.shape[0]
    h = jax.nn.relu(gcn_conv(x, edge_index, W1, b1, num_nodes))
    # dropout(p=0.5) is identity in eval mode
    out = gcn_conv(h, edge_index, W2, b2, num_nodes)
    return out

if __name__ == "__main__":
    import jax
    _d = setup_inputs()
    print(jax.jit(kernel)(*tuple(_d.values())))

</pallas_src>

<mosaic_0001>
#map = affine_map<(d0, d1) -> (0, 0)>
#map1 = affine_map<(d0, d1) -> (0, 0, 0)>
module attributes {stable_mosaic.version = 14 : i64} {
  func.func @_scatter_kernel(%arg0: i32, %arg1: i32, %arg2: memref<10240x128xf32, #tpu.memory_space<hbm>>, %arg3: memref<2640x128xi32, #tpu.memory_space<hbm>>, %arg4: memref<2640x128xi32, #tpu.memory_space<hbm>>, %arg5: memref<2x10240x128xf32, #tpu.memory_space<hbm>>, %arg6: memref<10240x128xf32, #tpu.memory_space<vmem_shared>>, %arg7: memref<80x128xi32, #tpu.memory_space<vmem>>, %arg8: memref<80x128xi32, #tpu.memory_space<vmem>>, %arg9: memref<128x128xf32, #tpu.memory_space<vmem>>, %arg10: memref<!tpu.dma_semaphore, #tpu.memory_space<semaphore_mem>>) attributes {dimension_semantics = [#tpu.dimension_semantics<core_parallel>, #tpu.dimension_semantics<subcore_parallel>], iteration_bounds = array<i64: 2, 16>, scalar_prefetch = 0 : i64, scratch_operands = 5 : i64, tpu.core_type = #tpu.core_type<sc_vector_subcore>, window_params = [{transform_indices = #map}, {transform_indices = #map}, {transform_indices = #map}, {transform_indices = #map1}]} {
    %mul3A = arith.constant 2 : i32
    %mul3A_0 = arith.muli %arg1, %mul3A : i32
    %add3A = arith.addi %mul3A_0, %arg0 : i32
    %mul3A_1 = arith.constant 640 : i32
    %mul3A_2 = arith.muli %arg1, %mul3A_1 : i32
    %scan3A = arith.constant 0 : i32
    %scan3A_3 = arith.constant 0 : i32
    %scan3A_4 = arith.constant 128 : i32
    %scan3A_5 = arith.addi %scan3A_3, %scan3A_4 : i32
    %scan3A_6 = arith.constant 1 : i32
    scf.for %scan3A_39 = %scan3A_3 to %scan3A_5 step %scan3A_6  : i32 {
      %broadcast_in_dim3A = arith.constant 0.000000e+00 : f32
      %broadcast_in_dim3A_40 = vector.broadcast %broadcast_in_dim3A : f32 to vector<16xf32>
      %swap3A = arith.index_cast %scan3A_39 : i32 to index
      %swap3A_41 = arith.constant 0 : index
      %swap3A_42 = tpu.vector_load %arg9[%swap3A, %swap3A_41] {strides = array<i32>} : memref<128x128xf32, #tpu.memory_space<vmem>>, vector<1x16xf32>,
      %swap3A_43 = vector.shape_cast %swap3A_42 : vector<1x16xf32> to vector<16xf32>
      %swap3A_44 = vector.shape_cast %broadcast_in_dim3A_40 : vector<16xf32> to vector<1x16xf32>
      tpu.vector_store %arg9[%swap3A, %swap3A_41], %swap3A_44 {strides = array<i32>} : memref<128x128xf32, #tpu.memory_space<vmem>>, vector<1x16xf32>,
      %broadcast_in_dim3A_45 = arith.constant 0.000000e+00 : f32
      %broadcast_in_dim3A_46 = vector.broadcast %broadcast_in_dim3A_45 : f32 to vector<16xf32>
      %swap3A_47 = arith.index_cast %scan3A_39 : i32 to index
      %swap3A_48 = arith.constant 16 : index
      %swap3A_49 = tpu.vector_load %arg9[%swap3A_47, %swap3A_48] {strides = array<i32>} : memref<128x128xf32, #tpu.memory_space<vmem>>, vector<1x16xf32>,
      %swap3A_50 = vector.shape_cast %swap3A_49 : vector<1x16xf32> to vector<16xf32>
      %swap3A_51 = vector.shape_cast %broadcast_in_dim3A_46 : vector<16xf32> to vector<1x16xf32>
      tpu.vector_store %arg9[%swap3A_47, %swap3A_48], %swap3A_51 {strides = array<i32>} : memref<128x128xf32, #tpu.memory_space<vmem>>, vector<1x16xf32>,
      %broadcast_in_dim3A_52 = arith.constant 0.000000e+00 : f32
      %broadcast_in_dim3A_53 = vector.broadcast %broadcast_in_dim3A_52 : f32 to vector<16xf32>
      %swap3A_54 = arith.index_cast %scan3A_39 : i32 to index
      %swap3A_55 = arith.constant 32 : index
      %swap3A_56 = tpu.vector_load %arg9[%swap3A_54, %swap3A_55] {strides = array<i32>} : memref<128x128xf32, #tpu.memory_space<vmem>>, vector<1x16xf32>,
      %swap3A_57 = vector.shape_cast %swap3A_56 : vector<1x16xf32> to vector<16xf32>
      %swap3A_58 = vector.shape_cast %broadcast_in_dim3A_53 : vector<16xf32> to vector<1x16xf32>
      tpu.vector_store %arg9[%swap3A_54, %swap3A_55], %swap3A_58 {strides = array<i32>} : memref<128x128xf32, #tpu.memory_space<vmem>>, vector<1x16xf32>,
      %broadcast_in_dim3A_59 = arith.constant 0.000000e+00 : f32
      %broadcast_in_dim3A_60 = vector.broadcast %broadcast_in_dim3A_59 : f32 to vector<16xf32>
      %swap3A_61 = arith.index_cast %scan3A_39 : i32 to index
      %swap3A_62 = arith.constant 48 : index
      %swap3A_63 = tpu.vector_load %arg9[%swap3A_61, %swap3A_62] {strides = array<i32>} : memref<128x128xf32, #tpu.memory_space<vmem>>, vector<1x16xf32>,
      %swap3A_64 = vector.shape_cast %swap3A_63 : vector<1x16xf32> to vector<16xf32>
      %swap3A_65 = vector.shape_cast %broadcast_in_dim3A_60 : vector<16xf32> to vector<1x16xf32>
      tpu.vector_store %arg9[%swap3A_61, %swap3A_62], %swap3A_65 {strides = array<i32>} : memref<128x128xf32, #tpu.memory_space<vmem>>, vector<1x16xf32>,
      %broadcast_in_dim3A_66 = arith.constant 0.000000e+00 : f32
      %broadcast_in_dim3A_67 = vector.broadcast %broadcast_in_dim3A_66 : f32 to vector<16xf32>
      %swap3A_68 = arith.index_cast %scan3A_39 : i32 to index
      %swap3A_69 = arith.constant 64 : index
      %swap3A_70 = tpu.vector_load %arg9[%swap3A_68, %swap3A_69] {strides = array<i32>} : memref<128x128xf32, #tpu.memory_space<vmem>>, vector<1x16xf32>,
      %swap3A_71 = vector.shape_cast %swap3A_70 : vector<1x16xf32> to vector<16xf32>
      %swap3A_72 = vector.shape_cast %broadcast_in_dim3A_67 : vector<16xf32> to vector<1x16xf32>
      tpu.vector_store %arg9[%swap3A_68, %swap3A_69], %swap3A_72 {strides = array<i32>} : memref<128x128xf32, #tpu.memory_space<vmem>>, vector<1x16xf32>,
      %broadcast_in_dim3A_73 = arith.constant 0.000000e+00 : f32
      %broadcast_in_dim3A_74 = vector.broadcast %broadcast_in_dim3A_73 : f32 to vector<16xf32>
      %swap3A_75 = arith.index_cast %scan3A_39 : i32 to index
      %swap3A_76 = arith.constant 80 : index
      %swap3A_77 = tpu.vector_load %arg9[%swap3A_75, %swap3A_76] {strides = array<i32>} : memref<128x128xf32, #tpu.memory_space<vmem>>, vector<1x16xf32>,
      %swap3A_78 = vector.shape_cast %swap3A_77 : vector<1x16xf32> to vector<16xf32>
      %swap3A_79 = vector.shape_cast %broadcast_in_dim3A_74 : vector<16xf32> to vector<1x16xf32>
      tpu.vector_store %arg9[%swap3A_75, %swap3A_76], %swap3A_79 {strides = array<i32>} : memref<128x128xf32, #tpu.memory_space<vmem>>, vector<1x16xf32>,
      %broadcast_in_dim3A_80 = arith.constant 0.000000e+00 : f32
      %broadcast_in_dim3A_81 = vector.broadcast %broadcast_in_dim3A_80 : f32 to vector<16xf32>
      %swap3A_82 = arith.index_cast %scan3A_39 : i32 to index
      %swap3A_83 = arith.constant 96 : index
      %swap3A_84 = tpu.vector_load %arg9[%swap3A_82, %swap3A_83] {strides = array<i32>} : memref<128x128xf32, #tpu.memory_space<vmem>>, vector<1x16xf32>,
      %swap3A_85 = vector.shape_cast %swap3A_84 : vector<1x16xf32> to vector<16xf32>
      %swap3A_86 = vector.shape_cast %broadcast_in_dim3A_81 : vector<16xf32> to vector<1x16xf32>
      tpu.vector_store %arg9[%swap3A_82, %swap3A_83], %swap3A_86 {strides = array<i32>} : memref<128x128xf32, #tpu.memory_space<vmem>>, vector<1x16xf32>,
      %broadcast_in_dim3A_87 = arith.constant 0.000000e+00 : f32
      %broadcast_in_dim3A_88 = vector.broadcast %broadcast_in_dim3A_87 : f32 to vector<16xf32>
      %swap3A_89 = arith.index_cast %scan3A_39 : i32 to index
      %swap3A_90 = arith.constant 112 : index
      %swap3A_91 = tpu.vector_load %arg9[%swap3A_89, %swap3A_90] {strides = array<i32>} : memref<128x128xf32, #tpu.memory_space<vmem>>, vector<1x16xf32>,
      %swap3A_92 = vector.shape_cast %swap3A_91 : vector<1x16xf32> to vector<16xf32>
      %swap3A_93 = vector.shape_cast %broadcast_in_dim3A_88 : vector<16xf32> to vector<1x16xf32>
      tpu.vector_store %arg9[%swap3A_89, %swap3A_90], %swap3A_93 {strides = array<i32>} : memref<128x128xf32, #tpu.memory_space<vmem>>, vector<1x16xf32>,
    }
    %scan3A_7 = arith.constant 128 : i32
    %add3A_8 = arith.constant 0 : i32
    %add3A_9 = arith.addi %mul3A_2, %add3A_8 : i32
    "tpu.region"() ({
      %run_scoped3A = tpu.sem_alloc : memref<!tpu.dma_semaphore, #tpu.memory_space<semaphore_mem>>
      %dma_start3A = arith.constant 0 : i32
      %dma_start3A_39 = tpu.memref_slice %arg6[%add3A_9, %dma_start3A] : memref<10240x128xf32, #tpu.memory_space<vmem_shared>> -> memref<128x128xf32, #tpu.memory_space<vmem_shared>>
      %dma_start3A_40 = arith.constant 0 : i32
      %dma_start3A_41 = tpu.memref_slice %arg6[%add3A_9, %dma_start3A_40] : memref<10240x128xf32, #tpu.memory_space<vmem_shared>> -> memref<128x128xf32, #tpu.memory_space<vmem_shared>>
      tpu.enqueue_dma source(%arg9 : memref<128x128xf32, #tpu.memory_space<vmem>>) target(%dma_start3A_41 : memref<128x128xf32, #tpu.memory_space<vmem_shared>>) target_semaphore(%run_scoped3A : memref<!tpu.dma_semaphore, #tpu.memory_space<semaphore_mem>>)
      %dma_wait3A = arith.constant 0 : i32
      %dma_wait3A_42 = tpu.memref_slice %arg6[%add3A_9, %dma_wait3A] : memref<10240x128xf32, #tpu.memory_space<vmem_shared>> -> memref<128x128xf32, #tpu.memory_space<vmem_shared>>
      %dma_wait3A_43 = arith.constant 0 : i32
      %dma_wait3A_44 = tpu.memref_slice %arg6[%add3A_9, %dma_wait3A_43] : memref<10240x128xf32, #tpu.memory_space<vmem_shared>> -> memref<128x128xf32, #tpu.memory_space<vmem_shared>>
      tpu.wait_dma2 semaphore(%run_scoped3A : memref<!tpu.dma_semaphore, #tpu.memory_space<semaphore_mem>>) src(%arg9 : memref<128x128xf32, #tpu.memory_space<vmem>>) dst(%dma_wait3A_44 : memref<128x128xf32, #tpu.memory_space<vmem_shared>>)
      tpu.yield
    }) : () -> ()
    %add3A_10 = arith.constant 128 : i32
    %add3A_11 = arith.addi %mul3A_2, %add3A_10 : i32
    "tpu.region"() ({
      %run_scoped3A = tpu.sem_alloc : memref<!tpu.dma_semaphore, #tpu.memory_space<semaphore_mem>>
      %dma_start3A = arith.constant 0 : i32
      %dma_start3A_39 = tpu.memref_slice %arg6[%add3A_11, %dma_start3A] : memref<10240x128xf32, #tpu.memory_space<vmem_shared>> -> memref<128x128xf32, #tpu.memory_space<vmem_shared>>
      %dma_start3A_40 = arith.constant 0 : i32
      %dma_start3A_41 = tpu.memref_slice %arg6[%add3A_11, %dma_start3A_40] : memref<10240x128xf32, #tpu.memory_space<vmem_shared>> -> memref<128x128xf32, #tpu.memory_space<vmem_shared>>
      tpu.enqueue_dma source(%arg9 : memref<128x128xf32, #tpu.memory_space<vmem>>) target(%dma_start3A_41 : memref<128x128xf32, #tpu.memory_space<vmem_shared>>) target_semaphore(%run_scoped3A : memref<!tpu.dma_semaphore, #tpu.memory_space<semaphore_mem>>)
      %dma_wait3A = arith.constant 0 : i32
      %dma_wait3A_42 = tpu.memref_slice %arg6[%add3A_11, %dma_wait3A] : memref<10240x128xf32, #tpu.memory_space<vmem_shared>> -> memref<128x128xf32, #tpu.memory_space<vmem_shared>>
      %dma_wait3A_43 = arith.constant 0 : i32
      %dma_wait3A_44 = tpu.memref_slice %arg6[%add3A_11, %dma_wait3A_43] : memref<10240x128xf32, #tpu.memory_space<vmem_shared>> -> memref<128x128xf32, #tpu.memory_space<vmem_shared>>
      tpu.wait_dma2 semaphore(%run_scoped3A : memref<!tpu.dma_semaphore, #tpu.memory_space<semaphore_mem>>) src(%arg9 : memref<128x128xf32, #tpu.memory_space<vmem>>) dst(%dma_wait3A_44 : memref<128x128xf32, #tpu.memory_space<vmem_shared>>)
      tpu.yield
    }) : () -> ()
    %add3A_12 = arith.constant 256 : i32
    %add3A_13 = arith.addi %mul3A_2, %add3A_12 : i32
    "tpu.region"() ({
      %run_scoped3A = tpu.sem_alloc : memref<!tpu.dma_semaphore, #tpu.memory_space<semaphore_mem>>
      %dma_start3A = arith.constant 0 : i32
      %dma_start3A_39 = tpu.memref_slice %arg6[%add3A_13, %dma_start3A] : memref<10240x128xf32, #tpu.memory_space<vmem_shared>> -> memref<128x128xf32, #tpu.memory_space<vmem_shared>>
      %dma_start3A_40 = arith.constant 0 : i32
      %dma_start3A_41 = tpu.memref_slice %arg6[%add3A_13, %dma_start3A_40] : memref<10240x128xf32, #tpu.memory_space<vmem_shared>> -> memref<128x128xf32, #tpu.memory_space<vmem_shared>>
      tpu.enqueue_dma source(%arg9 : memref<128x128xf32, #tpu.memory_space<vmem>>) target(%dma_start3A_41 : memref<128x128xf32, #tpu.memory_space<vmem_shared>>) target_semaphore(%run_scoped3A : memref<!tpu.dma_semaphore, #tpu.memory_space<semaphore_mem>>)
      %dma_wait3A = arith.constant 0 : i32
      %dma_wait3A_42 = tpu.memref_slice %arg6[%add3A_13, %dma_wait3A] : memref<10240x128xf32, #tpu.memory_space<vmem_shared>> -> memref<128x128xf32, #tpu.memory_space<vmem_shared>>
      %dma_wait3A_43 = arith.constant 0 : i32
      %dma_wait3A_44 = tpu.memref_slice %arg6[%add3A_13, %dma_wait3A_43] : memref<10240x128xf32, #tpu.memory_space<vmem_shared>> -> memref<128x128xf32, #tpu.memory_space<vmem_shared>>
      tpu.wait_dma2 semaphore(%run_scoped3A : memref<!tpu.dma_semaphore, #tpu.memory_space<semaphore_mem>>) src(%arg9 : memref<128x128xf32, #tpu.memory_space<vmem>>) dst(%dma_wait3A_44 : memref<128x128xf32, #tpu.memory_space<vmem_shared>>)
      tpu.yield
    }) : () -> ()
    %add3A_14 = arith.constant 384 : i32
    %add3A_15 = arith.addi %mul3A_2, %add3A_14 : i32
    "tpu.region"() ({
      %run_scoped3A = tpu.sem_alloc : memref<!tpu.dma_semaphore, #tpu.memory_space<semaphore_mem>>
      %dma_start3A = arith.constant 0 : i32
      %dma_start3A_39 = tpu.memref_slice %arg6[%add3A_15, %dma_start3A] : memref<10240x128xf32, #tpu.memory_space<vmem_shared>> -> memref<128x128xf32, #tpu.memory_space<vmem_shared>>
      %dma_start3A_40 = arith.constant 0 : i32
      %dma_start3A_41 = tpu.memref_slice %arg6[%add3A_15, %dma_start3A_40] : memref<10240x128xf32, #tpu.memory_space<vmem_shared>> -> memref<128x128xf32, #tpu.memory_space<vmem_shared>>
      tpu.enqueue_dma source(%arg9 : memref<128x128xf32, #tpu.memory_space<vmem>>) target(%dma_start3A_41 : memref<128x128xf32, #tpu.memory_space<vmem_shared>>) target_semaphore(%run_scoped3A : memref<!tpu.dma_semaphore, #tpu.memory_space<semaphore_mem>>)
      %dma_wait3A = arith.constant 0 : i32
      %dma_wait3A_42 = tpu.memref_slice %arg6[%add3A_15, %dma_wait3A] : memref<10240x128xf32, #tpu.memory_space<vmem_shared>> -> memref<128x128xf32, #tpu.memory_space<vmem_shared>>
      %dma_wait3A_43 = arith.constant 0 : i32
      %dma_wait3A_44 = tpu.memref_slice %arg6[%add3A_15, %dma_wait3A_43] : memref<10240x128xf32, #tpu.memory_space<vmem_shared>> -> memref<128x128xf32, #tpu.memory_space<vmem_shared>>
      tpu.wait_dma2 semaphore(%run_scoped3A : memref<!tpu.dma_semaphore, #tpu.memory_space<semaphore_mem>>) src(%arg9 : memref<128x128xf32, #tpu.memory_space<vmem>>) dst(%dma_wait3A_44 : memref<128x128xf32, #tpu.memory_space<vmem_shared>>)
      tpu.yield
    }) : () -> ()
    %add3A_16 = arith.constant 512 : i32
    %add3A_17 = arith.addi %mul3A_2, %add3A_16 : i32
    "tpu.region"() ({
      %run_scoped3A = tpu.sem_alloc : memref<!tpu.dma_semaphore, #tpu.memory_space<semaphore_mem>>
      %dma_start3A = arith.constant 0 : i32
      %dma_start3A_39 = tpu.memref_slice %arg6[%add3A_17, %dma_start3A] : memref<10240x128xf32, #tpu.memory_space<vmem_shared>> -> memref<128x128xf32, #tpu.memory_space<vmem_shared>>
      %dma_start3A_40 = arith.constant 0 : i32
      %dma_start3A_41 = tpu.memref_slice %arg6[%add3A_17, %dma_start3A_40] : memref<10240x128xf32, #tpu.memory_space<vmem_shared>> -> memref<128x128xf32, #tpu.memory_space<vmem_shared>>
      tpu.enqueue_dma source(%arg9 : memref<128x128xf32, #tpu.memory_space<vmem>>) target(%dma_start3A_41 : memref<128x128xf32, #tpu.memory_space<vmem_shared>>) target_semaphore(%run_scoped3A : memref<!tpu.dma_semaphore, #tpu.memory_space<semaphore_mem>>)
      %dma_wait3A = arith.constant 0 : i32
      %dma_wait3A_42 = tpu.memref_slice %arg6[%add3A_17, %dma_wait3A] : memref<10240x128xf32, #tpu.memory_space<vmem_shared>> -> memref<128x128xf32, #tpu.memory_space<vmem_shared>>
      %dma_wait3A_43 = arith.constant 0 : i32
      %dma_wait3A_44 = tpu.memref_slice %arg6[%add3A_17, %dma_wait3A_43] : memref<10240x128xf32, #tpu.memory_space<vmem_shared>> -> memref<128x128xf32, #tpu.memory_space<vmem_shared>>
      tpu.wait_dma2 semaphore(%run_scoped3A : memref<!tpu.dma_semaphore, #tpu.memory_space<semaphore_mem>>) src(%arg9 : memref<128x128xf32, #tpu.memory_space<vmem>>) dst(%dma_wait3A_44 : memref<128x128xf32, #tpu.memory_space<vmem_shared>>)
      tpu.yield
    }) : () -> ()
    %barrier3A = arith.constant 0 : index
    tpu.barrier barrier_id(%barrier3A)
    %eq3A = arith.constant 1 : i32
    %eq3A_18 = arith.cmpi eq, %arg0, %eq3A : i32
    %mul3A_19 = arith.constant 80 : i32
    %mul3A_20 = arith.muli %arg1, %mul3A_19 : i32
    %mul3A_21 = arith.constant 80 : i32
    %mul3A_22 = arith.muli %arg1, %mul3A_21 : i32
    %add3A_23 = arith.constant 1280 : i32
    %add3A_24 = arith.addi %add3A_23, %mul3A_22 : i32
    %select_n3A = arith.select %eq3A_18, %mul3A_20, %add3A_24 : i32
    %eq3A_25 = arith.constant 1 : i32
    %eq3A_26 = arith.cmpi eq, %arg0, %eq3A_25 : i32
    %jit3A = arith.constant 80 : i32
    %jit3A_27 = arith.constant 80 : i32
    %select_n3A_28 = arith.select %eq3A_26, %jit3A, %jit3A_27 : i32
    "tpu.region"() ({
      %run_scoped3A = tpu.sem_alloc : memref<!tpu.dma_semaphore, #tpu.memory_space<semaphore_mem>>
      %dma_start3A = arith.constant 0 : i32
      %dma_start3A_39 = tpu.memref_slice %arg3[%select_n3A, %dma_start3A] : memref<2640x128xi32, #tpu.memory_space<hbm>> -> memref<80x128xi32, #tpu.memory_space<hbm>>
      %dma_start3A_40 = arith.constant 0 : i32
      %dma_start3A_41 = tpu.memref_slice %arg3[%select_n3A, %dma_start3A_40] : memref<2640x128xi32, #tpu.memory_space<hbm>> -> memref<80x128xi32, #tpu.memory_space<hbm>>
      tpu.enqueue_dma source(%dma_start3A_41 : memref<80x128xi32, #tpu.memory_space<hbm>>) target(%arg7 : memref<80x128xi32, #tpu.memory_space<vmem>>) target_semaphore(%run_scoped3A : memref<!tpu.dma_semaphore, #tpu.memory_space<semaphore_mem>>)
      %dma_wait3A = arith.constant 0 : i32
      %dma_wait3A_42 = tpu.memref_slice %arg3[%select_n3A, %dma_wait3A] : memref<2640x128xi32, #tpu.memory_space<hbm>> -> memref<80x128xi32, #tpu.memory_space<hbm>>
      %dma_wait3A_43 = arith.constant 0 : i32
      %dma_wait3A_44 = tpu.memref_slice %arg3[%select_n3A, %dma_wait3A_43] : memref<2640x128xi32, #tpu.memory_space<hbm>> -> memref<80x128xi32, #tpu.memory_space<hbm>>
      tpu.wait_dma2 semaphore(%run_scoped3A : memref<!tpu.dma_semaphore, #tpu.memory_space<semaphore_mem>>) src(%dma_wait3A_44 : memref<80x128xi32, #tpu.memory_space<hbm>>) dst(%arg7 : memref<80x128xi32, #tpu.memory_space<vmem>>)
      tpu.yield
    }) : () -> ()
    "tpu.region"() ({
      %run_scoped3A = tpu.sem_alloc : memref<!tpu.dma_semaphore, #tpu.memory_space<semaphore_mem>>
      %dma_start3A = arith.constant 0 : i32
      %dma_start3A_39 = tpu.memref_slice %arg4[%select_n3A, %dma_start3A] : memref<2640x128xi32, #tpu.memory_space<hbm>> -> memref<80x128xi32, #tpu.memory_space<hbm>>
      %dma_start3A_40 = arith.constant 0 : i32
      %dma_start3A_41 = tpu.memref_slice %arg4[%select_n3A, %dma_start3A_40] : memref<2640x128xi32, #tpu.memory_space<hbm>> -> memref<80x128xi32, #tpu.memory_space<hbm>>
      tpu.enqueue_dma source(%dma_start3A_41 : memref<80x128xi32, #tpu.memory_space<hbm>>) target(%arg8 : memref<80x128xi32, #tpu.memory_space<vmem>>) target_semaphore(%run_scoped3A : memref<!tpu.dma_semaphore, #tpu.memory_space<semaphore_mem>>)
      %dma_wait3A = arith.constant 0 : i32
      %dma_wait3A_42 = tpu.memref_slice %arg4[%select_n3A, %dma_wait3A] : memref<2640x128xi32, #tpu.memory_space<hbm>> -> memref<80x128xi32, #tpu.memory_space<hbm>>
      %dma_wait3A_43 = arith.constant 0 : i32
      %dma_wait3A_44 = tpu.memref_slice %arg4[%select_n3A, %dma_wait3A_43] : memref<2640x128xi32, #tpu.memory_space<hbm>> -> memref<80x128xi32, #tpu.memory_space<hbm>>
      tpu.wait_dma2 semaphore(%run_scoped3A : memref<!tpu.dma_semaphore, #tpu.memory_space<semaphore_mem>>) src(%dma_wait3A_44 : memref<80x128xi32, #tpu.memory_space<hbm>>) dst(%arg8 : memref<80x128xi32, #tpu.memory_space<vmem>>)
      tpu.yield
    }) : () -> ()
    %while3A = arith.constant 0 : i32
    %while3A_29 = arith.constant 0 : i32
    %while3A_30 = arith.subi %select_n3A_28, %while3A_29 : i32
    %while3A_31 = arith.addi %while3A_29, %while3A_30 : i32
    %while3A_32 = arith.constant 1 : i32
    %while3A_33 = arith.divsi %while3A_30, %while3A_32 : i32
    %while3A_34 = arith.muli %while3A_33, %while3A_32 : i32
    %while3A_35 = arith.addi %while3A_29, %while3A_34 : i32
    %while3A_36 = arith.constant 1 : i32
    scf.for %while3A_39 = %while3A_29 to %while3A_35 step %while3A_36  : i32 {
      %dma_start3A = arith.constant 0 : i32
      %dma_start3A_40 = tpu.memref_slice %arg7[%while3A_39, %dma_start3A] : memref<80x128xi32, #tpu.memory_space<vmem>> -> memref<1x128xi32, #tpu.memory_space<vmem>>
      %dma_start3A_41 = tpu.memref_squeeze %dma_start3A_40 : memref<1x128xi32, #tpu.memory_space<vmem>> -> memref<128xi32, #tpu.memory_space<vmem>>
      %dma_start3A_42 = arith.constant 0 : i32
      %dma_start3A_43 = arith.constant 0 : i32
      %dma_start3A_44 = tpu.memref_slice %arg2[%dma_start3A_42, %dma_start3A_43] : memref<10240x128xf32, #tpu.memory_space<hbm>> -> memref<10240x128xf32, #tpu.memory_space<hbm>>
      tpu.enqueue_indirect_dma source(%dma_start3A_44 : memref<10240x128xf32, #tpu.memory_space<hbm>>) target(%arg9 : memref<128x128xf32, #tpu.memory_space<vmem>>) offsets(%dma_start3A_41 : memref<128xi32, #tpu.memory_space<vmem>>) semaphore(%arg10 : memref<!tpu.dma_semaphore, #tpu.memory_space<semaphore_mem>>)
      %dma_wait3A = arith.constant 0 : i32
      %dma_wait3A_45 = tpu.memref_slice %arg7[%while3A_39, %dma_wait3A] : memref<80x128xi32, #tpu.memory_space<vmem>> -> memref<1x128xi32, #tpu.memory_space<vmem>>
      %dma_wait3A_46 = tpu.memref_squeeze %dma_wait3A_45 : memref<1x128xi32, #tpu.memory_space<vmem>> -> memref<128xi32, #tpu.memory_space<vmem>>
      %dma_wait3A_47 = arith.constant 0 : i32
      %dma_wait3A_48 = arith.constant 0 : i32
      %dma_wait3A_49 = tpu.memref_slice %arg2[%dma_wait3A_47, %dma_wait3A_48] : memref<10240x128xf32, #tpu.memory_space<hbm>> -> memref<10240x128xf32, #tpu.memory_space<hbm>>
      tpu.wait_indirect_dma semaphore(%arg10 : memref<!tpu.dma_semaphore, #tpu.memory_space<semaphore_mem>>) src(%dma_wait3A_49 : memref<10240x128xf32, #tpu.memory_space<hbm>>) dst(%arg9 : memref<128x128xf32, #tpu.memory_space<vmem>>)
      "tpu.region"() ({
        %run_scoped3A = tpu.sem_alloc : memref<!tpu.dma_semaphore, #tpu.memory_space<semaphore_mem>>
        %dma_start3A_50 = arith.constant 0 : i32
        %dma_start3A_51 = tpu.memref_slice %arg8[%while3A_39, %dma_start3A_50] : memref<80x128xi32, #tpu.memory_space<vmem>> -> memref<1x128xi32, #tpu.memory_space<vmem>>
        %dma_start3A_52 = tpu.memref_squeeze %dma_start3A_51 : memref<1x128xi32, #tpu.memory_space<vmem>> -> memref<128xi32, #tpu.memory_space<vmem>>
        %dma_start3A_53 = arith.constant 0 : i32
        %dma_start3A_54 = arith.constant 0 : i32
        %dma_start3A_55 = tpu.memref_slice %arg6[%dma_start3A_53, %dma_start3A_54] : memref<10240x128xf32, #tpu.memory_space<vmem_shared>> -> memref<10240x128xf32, #tpu.memory_space<vmem_shared>>
        tpu.enqueue_indirect_dma source(%arg9 : memref<128x128xf32, #tpu.memory_space<vmem>>) target(%dma_start3A_55 : memref<10240x128xf32, #tpu.memory_space<vmem_shared>>) offsets(%dma_start3A_52 : memref<128xi32, #tpu.memory_space<vmem>>) semaphore(%run_scoped3A : memref<!tpu.dma_semaphore, #tpu.memory_space<semaphore_mem>>) {add = true}
        %dma_wait3A_56 = arith.constant 0 : i32
        %dma_wait3A_57 = tpu.memref_slice %arg8[%while3A_39, %dma_wait3A_56] : memref<80x128xi32, #tpu.memory_space<vmem>> -> memref<1x128xi32, #tpu.memory_space<vmem>>
        %dma_wait3A_58 = tpu.memref_squeeze %dma_wait3A_57 : memref<1x128xi32, #tpu.memory_space<vmem>> -> memref<128xi32, #tpu.memory_space<vmem>>
        %dma_wait3A_59 = arith.constant 0 : i32
        %dma_wait3A_60 = arith.constant 0 : i32
        %dma_wait3A_61 = tpu.memref_slice %arg6[%dma_wait3A_59, %dma_wait3A_60] : memref<10240x128xf32, #tpu.memory_space<vmem_shared>> -> memref<10240x128xf32, #tpu.memory_space<vmem_shared>>
        tpu.wait_indirect_dma semaphore(%run_scoped3A : memref<!tpu.dma_semaphore, #tpu.memory_space<semaphore_mem>>) src(%arg9 : memref<128x128xf32, #tpu.memory_space<vmem>>) dst(%dma_wait3A_61 : memref<10240x128xf32, #tpu.memory_space<vmem_shared>>)
        tpu.yield
      }) : () -> ()
    }
    %while3A_37 = arith.constant 1 : i32
    scf.for %while3A_39 = %while3A_35 to %while3A_31 step %while3A_37  : i32 {
      %dma_start3A = arith.constant 0 : i32
      %dma_start3A_40 = tpu.memref_slice %arg7[%while3A_39, %dma_start3A] : memref<80x128xi32, #tpu.memory_space<vmem>> -> memref<1x128xi32, #tpu.memory_space<vmem>>
      %dma_start3A_41 = tpu.memref_squeeze %dma_start3A_40 : memref<1x128xi32, #tpu.memory_space<vmem>> -> memref<128xi32, #tpu.memory_space<vmem>>
      %dma_start3A_42 = arith.constant 0 : i32
      %dma_start3A_43 = arith.constant 0 : i32
      %dma_start3A_44 = tpu.memref_slice %arg2[%dma_start3A_42, %dma_start3A_43] : memref<10240x128xf32, #tpu.memory_space<hbm>> -> memref<10240x128xf32, #tpu.memory_space<hbm>>
      tpu.enqueue_indirect_dma source(%dma_start3A_44 : memref<10240x128xf32, #tpu.memory_space<hbm>>) target(%arg9 : memref<128x128xf32, #tpu.memory_space<vmem>>) offsets(%dma_start3A_41 : memref<128xi32, #tpu.memory_space<vmem>>) semaphore(%arg10 : memref<!tpu.dma_semaphore, #tpu.memory_space<semaphore_mem>>)
      %dma_wait3A = arith.constant 0 : i32
      %dma_wait3A_45 = tpu.memref_slice %arg7[%while3A_39, %dma_wait3A] : memref<80x128xi32, #tpu.memory_space<vmem>> -> memref<1x128xi32, #tpu.memory_space<vmem>>
      %dma_wait3A_46 = tpu.memref_squeeze %dma_wait3A_45 : memref<1x128xi32, #tpu.memory_space<vmem>> -> memref<128xi32, #tpu.memory_space<vmem>>
      %dma_wait3A_47 = arith.constant 0 : i32
      %dma_wait3A_48 = arith.constant 0 : i32
      %dma_wait3A_49 = tpu.memref_slice %arg2[%dma_wait3A_47, %dma_wait3A_48] : memref<10240x128xf32, #tpu.memory_space<hbm>> -> memref<10240x128xf32, #tpu.memory_space<hbm>>
      tpu.wait_indirect_dma semaphore(%arg10 : memref<!tpu.dma_semaphore, #tpu.memory_space<semaphore_mem>>) src(%dma_wait3A_49 : memref<10240x128xf32, #tpu.memory_space<hbm>>) dst(%arg9 : memref<128x128xf32, #tpu.memory_space<vmem>>)
      "tpu.region"() ({
        %run_scoped3A = tpu.sem_alloc : memref<!tpu.dma_semaphore, #tpu.memory_space<semaphore_mem>>
        %dma_start3A_50 = arith.constant 0 : i32
        %dma_start3A_51 = tpu.memref_slice %arg8[%while3A_39, %dma_start3A_50] : memref<80x128xi32, #tpu.memory_space<vmem>> -> memref<1x128xi32, #tpu.memory_space<vmem>>
        %dma_start3A_52 = tpu.memref_squeeze %dma_start3A_51 : memref<1x128xi32, #tpu.memory_space<vmem>> -> memref<128xi32, #tpu.memory_space<vmem>>
        %dma_start3A_53 = arith.constant 0 : i32
        %dma_start3A_54 = arith.constant 0 : i32
        %dma_start3A_55 = tpu.memref_slice %arg6[%dma_start3A_53, %dma_start3A_54] : memref<10240x128xf32, #tpu.memory_space<vmem_shared>> -> memref<10240x128xf32, #tpu.memory_space<vmem_shared>>
        tpu.enqueue_indirect_dma source(%arg9 : memref<128x128xf32, #tpu.memory_space<vmem>>) target(%dma_start3A_55 : memref<10240x128xf32, #tpu.memory_space<vmem_shared>>) offsets(%dma_start3A_52 : memref<128xi32, #tpu.memory_space<vmem>>) semaphore(%run_scoped3A : memref<!tpu.dma_semaphore, #tpu.memory_space<semaphore_mem>>) {add = true}
        %dma_wait3A_56 = arith.constant 0 : i32
        %dma_wait3A_57 = tpu.memref_slice %arg8[%while3A_39, %dma_wait3A_56] : memref<80x128xi32, #tpu.memory_space<vmem>> -> memref<1x128xi32, #tpu.memory_space<vmem>>
        %dma_wait3A_58 = tpu.memref_squeeze %dma_wait3A_57 : memref<1x128xi32, #tpu.memory_space<vmem>> -> memref<128xi32, #tpu.memory_space<vmem>>
        %dma_wait3A_59 = arith.constant 0 : i32
        %dma_wait3A_60 = arith.constant 0 : i32
        %dma_wait3A_61 = tpu.memref_slice %arg6[%dma_wait3A_59, %dma_wait3A_60] : memref<10240x128xf32, #tpu.memory_space<vmem_shared>> -> memref<10240x128xf32, #tpu.memory_space<vmem_shared>>
        tpu.wait_indirect_dma semaphore(%run_scoped3A : memref<!tpu.dma_semaphore, #tpu.memory_space<semaphore_mem>>) src(%arg9 : memref<128x128xf32, #tpu.memory_space<vmem>>) dst(%dma_wait3A_61 : memref<10240x128xf32, #tpu.memory_space<vmem_shared>>)
        tpu.yield
      }) : () -> ()
    }
    %barrier3A_38 = arith.constant 0 : index
    tpu.barrier barrier_id(%barrier3A_38)
    "tpu.region"() ({
      %run_scoped3A = tpu.sem_alloc : memref<!tpu.dma_semaphore, #tpu.memory_space<semaphore_mem>>
      %dma_start3A = arith.constant 0 : i32
      %dma_start3A_39 = tpu.memref_slice %arg5[%arg0, %mul3A_2, %dma_start3A] : memref<2x10240x128xf32, #tpu.memory_space<hbm>> -> memref<1x640x128xf32, #tpu.memory_space<hbm>>
      %dma_start3A_40 = tpu.memref_squeeze %dma_start3A_39 : memref<1x640x128xf32, #tpu.memory_space<hbm>> -> memref<640x128xf32, #tpu.memory_space<hbm>>
      %dma_start3A_41 = arith.constant 0 : i32
      %dma_start3A_42 = tpu.memref_slice %arg6[%mul3A_2, %dma_start3A_41] : memref<10240x128xf32, #tpu.memory_space<vmem_shared>> -> memref<640x128xf32, #tpu.memory_space<vmem_shared>>
      tpu.enqueue_dma source(%dma_start3A_42 : memref<640x128xf32, #tpu.memory_space<vmem_shared>>) target(%dma_start3A_40 : memref<640x128xf32, #tpu.memory_space<hbm>>) target_semaphore(%run_scoped3A : memref<!tpu.dma_semaphore, #tpu.memory_space<semaphore_mem>>)
      %dma_wait3A = arith.constant 0 : i32
      %dma_wait3A_43 = tpu.memref_slice %arg5[%arg0, %mul3A_2, %dma_wait3A] : memref<2x10240x128xf32, #tpu.memory_space<hbm>> -> memref<1x640x128xf32, #tpu.memory_space<hbm>>
      %dma_wait3A_44 = tpu.memref_squeeze %dma_wait3A_43 : memref<1x640x128xf32, #tpu.memory_space<hbm>> -> memref<640x128xf32, #tpu.memory_space<hbm>>
      %dma_wait3A_45 = arith.constant 0 : i32
      %dma_wait3A_46 = tpu.memref_slice %arg6[%mul3A_2, %dma_wait3A_45] : memref<10240x128xf32, #tpu.memory_space<vmem_shared>> -> memref<640x128xf32, #tpu.memory_space<vmem_shared>>
      tpu.wait_dma2 semaphore(%run_scoped3A : memref<!tpu.dma_semaphore, #tpu.memory_space<semaphore_mem>>) src(%dma_wait3A_46 : memref<640x128xf32, #tpu.memory_space<vmem_shared>>) dst(%dma_wait3A_44 : memref<640x128xf32, #tpu.memory_space<hbm>>)
      tpu.yield
    }) : () -> ()
    return
  }
}

#map = affine_map<(d0, d1) -> (0, 0)>
#map1 = affine_map<(d0, d1) -> (0)>
module attributes {stable_mosaic.version = 14 : i64} {
  func.func @_deg_kernel(%arg0: i32, %arg1: i32, %arg2: memref<2640x128xi32, #tpu.memory_space<hbm>>, %arg3: memref<10240xf32, #tpu.memory_space<hbm>>, %arg4: memref<32x10240xf32, #tpu.memory_space<hbm>>, %arg5: memref<80x128xi32, #tpu.memory_space<vmem>>, %arg6: memref<10240xf32, #tpu.memory_space<vmem>>) attributes {dimension_semantics = [#tpu.dimension_semantics<core_parallel>, #tpu.dimension_semantics<subcore_parallel>], iteration_bounds = array<i64: 2, 16>, scalar_prefetch = 0 : i64, scratch_operands = 2 : i64, tpu.core_type = #tpu.core_type<sc_vector_subcore>, window_params = [{transform_indices = #map}, {transform_indices = #map1}, {transform_indices = #map}]} {
    %mul3A = arith.constant 2 : i32
    %mul3A_0 = arith.muli %arg1, %mul3A : i32
    %add3A = arith.addi %mul3A_0, %arg0 : i32
    "tpu.region"() ({
      %run_scoped3A = tpu.sem_alloc : memref<!tpu.dma_semaphore, #tpu.memory_space<semaphore_mem>>
      tpu.enqueue_dma source(%arg3 : memref<10240xf32, #tpu.memory_space<hbm>>) target(%arg6 : memref<10240xf32, #tpu.memory_space<vmem>>) target_semaphore(%run_scoped3A : memref<!tpu.dma_semaphore, #tpu.memory_space<semaphore_mem>>)
      tpu.wait_dma2 semaphore(%run_scoped3A : memref<!tpu.dma_semaphore, #tpu.memory_space<semaphore_mem>>) src(%arg3 : memref<10240xf32, #tpu.memory_space<hbm>>) dst(%arg6 : memref<10240xf32, #tpu.memory_space<vmem>>)
      tpu.yield
    }) : () -> ()
    %mul3A_1 = arith.constant 80 : i32
    %mul3A_2 = arith.muli %add3A, %mul3A_1 : i32
    "tpu.region"() ({
      %run_scoped3A = tpu.sem_alloc : memref<!tpu.dma_semaphore, #tpu.memory_space<semaphore_mem>>
      %dma_start3A = arith.constant 0 : i32
      %dma_start3A_9 = tpu.memref_slice %arg2[%mul3A_2, %dma_start3A] : memref<2640x128xi32, #tpu.memory_space<hbm>> -> memref<80x128xi32, #tpu.memory_space<hbm>>
      %dma_start3A_10 = arith.constant 0 : i32
      %dma_start3A_11 = tpu.memref_slice %arg2[%mul3A_2, %dma_start3A_10] : memref<2640x128xi32, #tpu.memory_space<hbm>> -> memref<80x128xi32, #tpu.memory_space<hbm>>
      tpu.enqueue_dma source(%dma_start3A_11 : memref<80x128xi32, #tpu.memory_space<hbm>>) target(%arg5 : memref<80x128xi32, #tpu.memory_space<vmem>>) target_semaphore(%run_scoped3A : memref<!tpu.dma_semaphore, #tpu.memory_space<semaphore_mem>>)
      %dma_wait3A = arith.constant 0 : i32
      %dma_wait3A_12 = tpu.memref_slice %arg2[%mul3A_2, %dma_wait3A] : memref<2640x128xi32, #tpu.memory_space<hbm>> -> memref<80x128xi32, #tpu.memory_space<hbm>>
      %dma_wait3A_13 = arith.constant 0 : i32
      %dma_wait3A_14 = tpu.memref_slice %arg2[%mul3A_2, %dma_wait3A_13] : memref<2640x128xi32, #tpu.memory_space<hbm>> -> memref<80x128xi32, #tpu.memory_space<hbm>>
      tpu.wait_dma2 semaphore(%run_scoped3A : memref<!tpu.dma_semaphore, #tpu.memory_space<semaphore_mem>>) src(%dma_wait3A_14 : memref<80x128xi32, #tpu.memory_space<hbm>>) dst(%arg5 : memref<80x128xi32, #tpu.memory_space<vmem>>)
      tpu.yield
    }) : () -> ()
    %broadcast_in_dim3A = arith.constant 1.000000e+00 : f32
    %broadcast_in_dim3A_3 = vector.broadcast %broadcast_in_dim3A : f32 to vector<16xf32>
    %scan3A = arith.constant 0 : i32
    %scan3A_4 = arith.constant 0 : i32
    %scan3A_5 = arith.constant 80 : i32
    %scan3A_6 = arith.addi %scan3A_4, %scan3A_5 : i32
    %scan3A_7 = arith.constant 1 : i32
    scf.for %scan3A_9 = %scan3A_4 to %scan3A_6 step %scan3A_7  : i32 {
      %get3A = arith.index_cast %scan3A_9 : i32 to index
      %get3A_10 = arith.constant 0 : index
      %get3A_11 = tpu.vector_load %arg5[%get3A, %get3A_10] {strides = array<i32>} : memref<80x128xi32, #tpu.memory_space<vmem>>, vector<16xi32>,
      tpu.vector_store_idx %arg6[%get3A_11], %broadcast_in_dim3A_3 {add = true} : memref<10240xf32, #tpu.memory_space<vmem>>[vector<16xi32>], vector<16xf32>,
      %get3A_12 = arith.index_cast %scan3A_9 : i32 to index
      %get3A_13 = arith.constant 16 : index
      %get3A_14 = tpu.vector_load %arg5[%get3A_12, %get3A_13] {strides = array<i32>} : memref<80x128xi32, #tpu.memory_space<vmem>>, vector<16xi32>,
      tpu.vector_store_idx %arg6[%get3A_14], %broadcast_in_dim3A_3 {add = true} : memref<10240xf32, #tpu.memory_space<vmem>>[vector<16xi32>], vector<16xf32>,
      %get3A_15 = arith.index_cast %scan3A_9 : i32 to index
      %get3A_16 = arith.constant 32 : index
      %get3A_17 = tpu.vector_load %arg5[%get3A_15, %get3A_16] {strides = array<i32>} : memref<80x128xi32, #tpu.memory_space<vmem>>, vector<16xi32>,
      tpu.vector_store_idx %arg6[%get3A_17], %broadcast_in_dim3A_3 {add = true} : memref<10240xf32, #tpu.memory_space<vmem>>[vector<16xi32>], vector<16xf32>,
      %get3A_18 = arith.index_cast %scan3A_9 : i32 to index
      %get3A_19 = arith.constant 48 : index
      %get3A_20 = tpu.vector_load %arg5[%get3A_18, %get3A_19] {strides = array<i32>} : memref<80x128xi32, #tpu.memory_space<vmem>>, vector<16xi32>,
      tpu.vector_store_idx %arg6[%get3A_20], %broadcast_in_dim3A_3 {add = true} : memref<10240xf32, #tpu.memory_space<vmem>>[vector<16xi32>], vector<16xf32>,
      %get3A_21 = arith.index_cast %scan3A_9 : i32 to index
      %get3A_22 = arith.constant 64 : index
      %get3A_23 = tpu.vector_load %arg5[%get3A_21, %get3A_22] {strides = array<i32>} : memref<80x128xi32, #tpu.memory_space<vmem>>, vector<16xi32>,
      tpu.vector_store_idx %arg6[%get3A_23], %broadcast_in_dim3A_3 {add = true} : memref<10240xf32, #tpu.memory_space<vmem>>[vector<16xi32>], vector<16xf32>,
      %get3A_24 = arith.index_cast %scan3A_9 : i32 to index
      %get3A_25 = arith.constant 80 : index
      %get3A_26 = tpu.vector_load %arg5[%get3A_24, %get3A_25] {strides = array<i32>} : memref<80x128xi32, #tpu.memory_space<vmem>>, vector<16xi32>,
      tpu.vector_store_idx %arg6[%get3A_26], %broadcast_in_dim3A_3 {add = true} : memref<10240xf32, #tpu.memory_space<vmem>>[vector<16xi32>], vector<16xf32>,
      %get3A_27 = arith.index_cast %scan3A_9 : i32 to index
      %get3A_28 = arith.constant 96 : index
      %get3A_29 = tpu.vector_load %arg5[%get3A_27, %get3A_28] {strides = array<i32>} : memref<80x128xi32, #tpu.memory_space<vmem>>, vector<16xi32>,
      tpu.vector_store_idx %arg6[%get3A_29], %broadcast_in_dim3A_3 {add = true} : memref<10240xf32, #tpu.memory_space<vmem>>[vector<16xi32>], vector<16xf32>,
      %get3A_30 = arith.index_cast %scan3A_9 : i32 to index
      %get3A_31 = arith.constant 112 : index
      %get3A_32 = tpu.vector_load %arg5[%get3A_30, %get3A_31] {strides = array<i32>} : memref<80x128xi32, #tpu.memory_space<vmem>>, vector<16xi32>,
      tpu.vector_store_idx %arg6[%get3A_32], %broadcast_in_dim3A_3 {add = true} : memref<10240xf32, #tpu.memory_space<vmem>>[vector<16xi32>], vector<16xf32>,
    }
    %scan3A_8 = arith.constant 80 : i32
    "tpu.region"() ({
      %run_scoped3A = tpu.sem_alloc : memref<!tpu.dma_semaphore, #tpu.memory_space<semaphore_mem>>
      %dma_start3A = arith.constant 0 : i32
      %dma_start3A_9 = tpu.memref_slice %arg4[%add3A, %dma_start3A] : memref<32x10240xf32, #tpu.memory_space<hbm>> -> memref<1x10240xf32, #tpu.memory_space<hbm>>
      %dma_start3A_10 = tpu.memref_squeeze %dma_start3A_9 : memref<1x10240xf32, #tpu.memory_space<hbm>> -> memref<10240xf32, #tpu.memory_space<hbm>>
      %dma_start3A_11 = arith.constant 0 : i32
      %dma_start3A_12 = tpu.memref_slice %arg4[%add3A, %dma_start3A_11] : memref<32x10240xf32, #tpu.memory_space<hbm>> -> memref<1x10240xf32, #tpu.memory_space<hbm>>
      %dma_start3A_13 = tpu.memref_squeeze %dma_start3A_12 : memref<1x10240xf32, #tpu.memory_space<hbm>> -> memref<10240xf32, #tpu.memory_space<hbm>>
      tpu.enqueue_dma source(%arg6 : memref<10240xf32, #tpu.memory_space<vmem>>) target(%dma_start3A_13 : memref<10240xf32, #tpu.memory_space<hbm>>) target_semaphore(%run_scoped3A : memref<!tpu.dma_semaphore, #tpu.memory_space<semaphore_mem>>)
      %dma_wait3A = arith.constant 0 : i32
      %dma_wait3A_14 = tpu.memref_slice %arg4[%add3A, %dma_wait3A] : memref<32x10240xf32, #tpu.memory_space<hbm>> -> memref<1x10240xf32, #tpu.memory_space<hbm>>
      %dma_wait3A_15 = tpu.memref_squeeze %dma_wait3A_14 : memref<1x10240xf32, #tpu.memory_space<hbm>> -> memref<10240xf32, #tpu.memory_space<hbm>>
      %dma_wait3A_16 = arith.constant 0 : i32
      %dma_wait3A_17 = tpu.memref_slice %arg4[%add3A, %dma_wait3A_16] : memref<32x10240xf32, #tpu.memory_space<hbm>> -> memref<1x10240xf32, #tpu.memory_space<hbm>>
      %dma_wait3A_18 = tpu.memref_squeeze %dma_wait3A_17 : memref<1x10240xf32, #tpu.memory_space<hbm>> -> memref<10240xf32, #tpu.memory_space<hbm>>
      tpu.wait_dma2 semaphore(%run_scoped3A : memref<!tpu.dma_semaphore, #tpu.memory_space<semaphore_mem>>) src(%arg6 : memref<10240xf32, #tpu.memory_space<vmem>>) dst(%dma_wait3A_18 : memref<10240xf32, #tpu.memory_space<hbm>>)
      tpu.yield
    }) : () -> ()
    return
  }
}

#map = affine_map<(d0, d1) -> (0, 0)>
#map1 = affine_map<(d0, d1) -> (0, 0, 0)>
module attributes {stable_mosaic.version = 14 : i64} {
  func.func @_scatter_kernel(%arg0: i32, %arg1: i32, %arg2: memref<10240x128xf32, #tpu.memory_space<hbm>>, %arg3: memref<2640x128xi32, #tpu.memory_space<hbm>>, %arg4: memref<2640x128xi32, #tpu.memory_space<hbm>>, %arg5: memref<2x10240x128xf32, #tpu.memory_space<hbm>>, %arg6: memref<10240x128xf32, #tpu.memory_space<vmem_shared>>, %arg7: memref<80x128xi32, #tpu.memory_space<vmem>>, %arg8: memref<80x128xi32, #tpu.memory_space<vmem>>, %arg9: memref<128x128xf32, #tpu.memory_space<vmem>>, %arg10: memref<!tpu.dma_semaphore, #tpu.memory_space<semaphore_mem>>) attributes {dimension_semantics = [#tpu.dimension_semantics<core_parallel>, #tpu.dimension_semantics<subcore_parallel>], iteration_bounds = array<i64: 2, 16>, scalar_prefetch = 0 : i64, scratch_operands = 5 : i64, tpu.core_type = #tpu.core_type<sc_vector_subcore>, window_params = [{transform_indices = #map}, {transform_indices = #map}, {transform_indices = #map}, {transform_indices = #map1}]} {
    %mul3A = arith.constant 2 : i32
    %mul3A_0 = arith.muli %arg1, %mul3A : i32
    %add3A = arith.addi %mul3A_0, %arg0 : i32
    %mul3A_1 = arith.constant 640 : i32
    %mul3A_2 = arith.muli %arg1, %mul3A_1 : i32
    %scan3A = arith.constant 0 : i32
    %scan3A_3 = arith.constant 0 : i32
    %scan3A_4 = arith.constant 128 : i32
    %scan3A_5 = arith.addi %scan3A_3, %scan3A_4 : i32
    %scan3A_6 = arith.constant 1 : i32
    scf.for %scan3A_39 = %scan3A_3 to %scan3A_5 step %scan3A_6  : i32 {
      %broadcast_in_dim3A = arith.constant 0.000000e+00 : f32
      %broadcast_in_dim3A_40 = vector.broadcast %broadcast_in_dim3A : f32 to vector<16xf32>
      %swap3A = arith.index_cast %scan3A_39 : i32 to index
      %swap3A_41 = arith.constant 0 : index
      %swap3A_42 = tpu.vector_load %arg9[%swap3A, %swap3A_41] {strides = array<i32>} : memref<128x128xf32, #tpu.memory_space<vmem>>, vector<1x16xf32>,
      %swap3A_43 = vector.shape_cast %swap3A_42 : vector<1x16xf32> to vector<16xf32>
      %swap3A_44 = vector.shape_cast %broadcast_in_dim3A_40 : vector<16xf32> to vector<1x16xf32>
      tpu.vector_store %arg9[%swap3A, %swap3A_41], %swap3A_44 {strides = array<i32>} : memref<128x128xf32, #tpu.memory_space<vmem>>, vector<1x16xf32>,
      %broadcast_in_dim3A_45 = arith.constant 0.000000e+00 : f32
      %broadcast_in_dim3A_46 = vector.broadcast %broadcast_in_dim3A_45 : f32 to vector<16xf32>
      %swap3A_47 = arith.index_cast %scan3A_39 : i32 to index
      %swap3A_48 = arith.constant 16 : index
      %swap3A_49 = tpu.vector_load %arg9[%swap3A_47, %swap3A_48] {strides = array<i32>} : memref<128x128xf32, #tpu.memory_space<vmem>>, vector<1x16xf32>,
      %swap3A_50 = vector.shape_cast %swap3A_49 : vector<1x16xf32> to vector<16xf32>
      %swap3A_51 = vector.shape_cast %broadcast_in_dim3A_46 : vector<16xf32> to vector<1x16xf32>
      tpu.vector_store %arg9[%swap3A_47, %swap3A_48], %swap3A_51 {strides = array<i32>} : memref<128x128xf32, #tpu.memory_space<vmem>>, vector<1x16xf32>,
      %broadcast_in_dim3A_52 = arith.constant 0.000000e+00 : f32
      %broadcast_in_dim3A_53 = vector.broadcast %broadcast_in_dim3A_52 : f32 to vector<16xf32>
      %swap3A_54 = arith.index_cast %scan3A_39 : i32 to index
      %swap3A_55 = arith.constant 32 : index
      %swap3A_56 = tpu.vector_load %arg9[%swap3A_54, %swap3A_55] {strides = array<i32>} : memref<128x128xf32, #tpu.memory_space<vmem>>, vector<1x16xf32>,
      %swap3A_57 = vector.shape_cast %swap3A_56 : vector<1x16xf32> to vector<16xf32>
      %swap3A_58 = vector.shape_cast %broadcast_in_dim3A_53 : vector<16xf32> to vector<1x16xf32>
      tpu.vector_store %arg9[%swap3A_54, %swap3A_55], %swap3A_58 {strides = array<i32>} : memref<128x128xf32, #tpu.memory_space<vmem>>, vector<1x16xf32>,
      %broadcast_in_dim3A_59 = arith.constant 0.000000e+00 : f32
      %broadcast_in_dim3A_60 = vector.broadcast %broadcast_in_dim3A_59 : f32 to vector<16xf32>
      %swap3A_61 = arith.index_cast %scan3A_39 : i32 to index
      %swap3A_62 = arith.constant 48 : index
      %swap3A_63 = tpu.vector_load %arg9[%swap3A_61, %swap3A_62] {strides = array<i32>} : memref<128x128xf32, #tpu.memory_space<vmem>>, vector<1x16xf32>,
      %swap3A_64 = vector.shape_cast %swap3A_63 : vector<1x16xf32> to vector<16xf32>
      %swap3A_65 = vector.shape_cast %broadcast_in_dim3A_60 : vector<16xf32> to vector<1x16xf32>
      tpu.vector_store %arg9[%swap3A_61, %swap3A_62], %swap3A_65 {strides = array<i32>} : memref<128x128xf32, #tpu.memory_space<vmem>>, vector<1x16xf32>,
      %broadcast_in_dim3A_66 = arith.constant 0.000000e+00 : f32
      %broadcast_in_dim3A_67 = vector.broadcast %broadcast_in_dim3A_66 : f32 to vector<16xf32>
      %swap3A_68 = arith.index_cast %scan3A_39 : i32 to index
      %swap3A_69 = arith.constant 64 : index
      %swap3A_70 = tpu.vector_load %arg9[%swap3A_68, %swap3A_69] {strides = array<i32>} : memref<128x128xf32, #tpu.memory_space<vmem>>, vector<1x16xf32>,
      %swap3A_71 = vector.shape_cast %swap3A_70 : vector<1x16xf32> to vector<16xf32>
      %swap3A_72 = vector.shape_cast %broadcast_in_dim3A_67 : vector<16xf32> to vector<1x16xf32>
      tpu.vector_store %arg9[%swap3A_68, %swap3A_69], %swap3A_72 {strides = array<i32>} : memref<128x128xf32, #tpu.memory_space<vmem>>, vector<1x16xf32>,
      %broadcast_in_dim3A_73 = arith.constant 0.000000e+00 : f32
      %broadcast_in_dim3A_74 = vector.broadcast %broadcast_in_dim3A_73 : f32 to vector<16xf32>
      %swap3A_75 = arith.index_cast %scan3A_39 : i32 to index
      %swap3A_76 = arith.constant 80 : index
      %swap3A_77 = tpu.vector_load %arg9[%swap3A_75, %swap3A_76] {strides = array<i32>} : memref<128x128xf32, #tpu.memory_space<vmem>>, vector<1x16xf32>,
      %swap3A_78 = vector.shape_cast %swap3A_77 : vector<1x16xf32> to vector<16xf32>
      %swap3A_79 = vector.shape_cast %broadcast_in_dim3A_74 : vector<16xf32> to vector<1x16xf32>
      tpu.vector_store %arg9[%swap3A_75, %swap3A_76], %swap3A_79 {strides = array<i32>} : memref<128x128xf32, #tpu.memory_space<vmem>>, vector<1x16xf32>,
      %broadcast_in_dim3A_80 = arith.constant 0.000000e+00 : f32
      %broadcast_in_dim3A_81 = vector.broadcast %broadcast_in_dim3A_80 : f32 to vector<16xf32>
      %swap3A_82 = arith.index_cast %scan3A_39 : i32 to index
      %swap3A_83 = arith.constant 96 : index
      %swap3A_84 = tpu.vector_load %arg9[%swap3A_82, %swap3A_83] {strides = array<i32>} : memref<128x128xf32, #tpu.memory_space<vmem>>, vector<1x16xf32>,
      %swap3A_85 = vector.shape_cast %swap3A_84 : vector<1x16xf32> to vector<16xf32>
      %swap3A_86 = vector.shape_cast %broadcast_in_dim3A_81 : vector<16xf32> to vector<1x16xf32>
      tpu.vector_store %arg9[%swap3A_82, %swap3A_83], %swap3A_86 {strides = array<i32>} : memref<128x128xf32, #tpu.memory_space<vmem>>, vector<1x16xf32>,
      %broadcast_in_dim3A_87 = arith.constant 0.000000e+00 : f32
      %broadcast_in_dim3A_88 = vector.broadcast %broadcast_in_dim3A_87 : f32 to vector<16xf32>
      %swap3A_89 = arith.index_cast %scan3A_39 : i32 to index
      %swap3A_90 = arith.constant 112 : index
      %swap3A_91 = tpu.vector_load %arg9[%swap3A_89, %swap3A_90] {strides = array<i32>} : memref<128x128xf32, #tpu.memory_space<vmem>>, vector<1x16xf32>,
      %swap3A_92 = vector.shape_cast %swap3A_91 : vector<1x16xf32> to vector<16xf32>
      %swap3A_93 = vector.shape_cast %broadcast_in_dim3A_88 : vector<16xf32> to vector<1x16xf32>
      tpu.vector_store %arg9[%swap3A_89, %swap3A_90], %swap3A_93 {strides = array<i32>} : memref<128x128xf32, #tpu.memory_space<vmem>>, vector<1x16xf32>,
    }
    %scan3A_7 = arith.constant 128 : i32
    %add3A_8 = arith.constant 0 : i32
    %add3A_9 = arith.addi %mul3A_2, %add3A_8 : i32
    "tpu.region"() ({
      %run_scoped3A = tpu.sem_alloc : memref<!tpu.dma_semaphore, #tpu.memory_space<semaphore_mem>>
      %dma_start3A = arith.constant 0 : i32
      %dma_start3A_39 = tpu.memref_slice %arg6[%add3A_9, %dma_start3A] : memref<10240x128xf32, #tpu.memory_space<vmem_shared>> -> memref<128x128xf32, #tpu.memory_space<vmem_shared>>
      %dma_start3A_40 = arith.constant 0 : i32
      %dma_start3A_41 = tpu.memref_slice %arg6[%add3A_9, %dma_start3A_40] : memref<10240x128xf32, #tpu.memory_space<vmem_shared>> -> memref<128x128xf32, #tpu.memory_space<vmem_shared>>
      tpu.enqueue_dma source(%arg9 : memref<128x128xf32, #tpu.memory_space<vmem>>) target(%dma_start3A_41 : memref<128x128xf32, #tpu.memory_space<vmem_shared>>) target_semaphore(%run_scoped3A : memref<!tpu.dma_semaphore, #tpu.memory_space<semaphore_mem>>)
      %dma_wait3A = arith.constant 0 : i32
      %dma_wait3A_42 = tpu.memref_slice %arg6[%add3A_9, %dma_wait3A] : memref<10240x128xf32, #tpu.memory_space<vmem_shared>> -> memref<128x128xf32, #tpu.memory_space<vmem_shared>>
      %dma_wait3A_43 = arith.constant 0 : i32
      %dma_wait3A_44 = tpu.memref_slice %arg6[%add3A_9, %dma_wait3A_43] : memref<10240x128xf32, #tpu.memory_space<vmem_shared>> -> memref<128x128xf32, #tpu.memory_space<vmem_shared>>
      tpu.wait_dma2 semaphore(%run_scoped3A : memref<!tpu.dma_semaphore, #tpu.memory_space<semaphore_mem>>) src(%arg9 : memref<128x128xf32, #tpu.memory_space<vmem>>) dst(%dma_wait3A_44 : memref<128x128xf32, #tpu.memory_space<vmem_shared>>)
      tpu.yield
    }) : () -> ()
    %add3A_10 = arith.constant 128 : i32
    %add3A_11 = arith.addi %mul3A_2, %add3A_10 : i32
    "tpu.region"() ({
      %run_scoped3A = tpu.sem_alloc : memref<!tpu.dma_semaphore, #tpu.memory_space<semaphore_mem>>
      %dma_start3A = arith.constant 0 : i32
      %dma_start3A_39 = tpu.memref_slice %arg6[%add3A_11, %dma_start3A] : memref<10240x128xf32, #tpu.memory_space<vmem_shared>> -> memref<128x128xf32, #tpu.memory_space<vmem_shared>>
      %dma_start3A_40 = arith.constant 0 : i32
      %dma_start3A_41 = tpu.memref_slice %arg6[%add3A_11, %dma_start3A_40] : memref<10240x128xf32, #tpu.memory_space<vmem_shared>> -> memref<128x128xf32, #tpu.memory_space<vmem_shared>>
      tpu.enqueue_dma source(%arg9 : memref<128x128xf32, #tpu.memory_space<vmem>>) target(%dma_start3A_41 : memref<128x128xf32, #tpu.memory_space<vmem_shared>>) target_semaphore(%run_scoped3A : memref<!tpu.dma_semaphore, #tpu.memory_space<semaphore_mem>>)
      %dma_wait3A = arith.constant 0 : i32
      %dma_wait3A_42 = tpu.memref_slice %arg6[%add3A_11, %dma_wait3A] : memref<10240x128xf32, #tpu.memory_space<vmem_shared>> -> memref<128x128xf32, #tpu.memory_space<vmem_shared>>
      %dma_wait3A_43 = arith.constant 0 : i32
      %dma_wait3A_44 = tpu.memref_slice %arg6[%add3A_11, %dma_wait3A_43] : memref<10240x128xf32, #tpu.memory_space<vmem_shared>> -> memref<128x128xf32, #tpu.memory_space<vmem_shared>>
      tpu.wait_dma2 semaphore(%run_scoped3A : memref<!tpu.dma_semaphore, #tpu.memory_space<semaphore_mem>>) src(%arg9 : memref<128x128xf32, #tpu.memory_space<vmem>>) dst(%dma_wait3A_44 : memref<128x128xf32, #tpu.memory_space<vmem_shared>>)
      tpu.yield
    }) : () -> ()
    %add3A_12 = arith.constant 256 : i32
    %add3A_13 = arith.addi %mul3A_2, %add3A_12 : i32
    "tpu.region"() ({
      %run_scoped3A = tpu.sem_alloc : memref<!tpu.dma_semaphore, #tpu.memory_space<semaphore_mem>>
      %dma_start3A = arith.constant 0 : i32
      %dma_start3A_39 = tpu.memref_slice %arg6[%add3A_13, %dma_start3A] : memref<10240x128xf32, #tpu.memory_space<vmem_shared>> -> memref<128x128xf32, #tpu.memory_space<vmem_shared>>
      %dma_start3A_40 = arith.constant 0 : i32
      %dma_start3A_41 = tpu.memref_slice %arg6[%add3A_13, %dma_start3A_40] : memref<10240x128xf32, #tpu.memory_space<vmem_shared>> -> memref<128x128xf32, #tpu.memory_space<vmem_shared>>
      tpu.enqueue_dma source(%arg9 : memref<128x128xf32, #tpu.memory_space<vmem>>) target(%dma_start3A_41 : memref<128x128xf32, #tpu.memory_space<vmem_shared>>) target_semaphore(%run_scoped3A : memref<!tpu.dma_semaphore, #tpu.memory_space<semaphore_mem>>)
      %dma_wait3A = arith.constant 0 : i32
      %dma_wait3A_42 = tpu.memref_slice %arg6[%add3A_13, %dma_wait3A] : memref<10240x128xf32, #tpu.memory_space<vmem_shared>> -> memref<128x128xf32, #tpu.memory_space<vmem_shared>>
      %dma_wait3A_43 = arith.constant 0 : i32
      %dma_wait3A_44 = tpu.memref_slice %arg6[%add3A_13, %dma_wait3A_43] : memref<10240x128xf32, #tpu.memory_space<vmem_shared>> -> memref<128x128xf32, #tpu.memory_space<vmem_shared>>
      tpu.wait_dma2 semaphore(%run_scoped3A : memref<!tpu.dma_semaphore, #tpu.memory_space<semaphore_mem>>) src(%arg9 : memref<128x128xf32, #tpu.memory_space<vmem>>) dst(%dma_wait3A_44 : memref<128x128xf32, #tpu.memory_space<vmem_shared>>)
      tpu.yield
    }) : () -> ()
    %add3A_14 = arith.constant 384 : i32
    %add3A_15 = arith.addi %mul3A_2, %add3A_14 : i32
    "tpu.region"() ({
      %run_scoped3A = tpu.sem_alloc : memref<!tpu.dma_semaphore, #tpu.memory_space<semaphore_mem>>
      %dma_start3A = arith.constant 0 : i32
      %dma_start3A_39 = tpu.memref_slice %arg6[%add3A_15, %dma_start3A] : memref<10240x128xf32, #tpu.memory_space<vmem_shared>> -> memref<128x128xf32, #tpu.memory_space<vmem_shared>>
      %dma_start3A_40 = arith.constant 0 : i32
      %dma_start3A_41 = tpu.memref_slice %arg6[%add3A_15, %dma_start3A_40] : memref<10240x128xf32, #tpu.memory_space<vmem_shared>> -> memref<128x128xf32, #tpu.memory_space<vmem_shared>>
      tpu.enqueue_dma source(%arg9 : memref<128x128xf32, #tpu.memory_space<vmem>>) target(%dma_start3A_41 : memref<128x128xf32, #tpu.memory_space<vmem_shared>>) target_semaphore(%run_scoped3A : memref<!tpu.dma_semaphore, #tpu.memory_space<semaphore_mem>>)
      %dma_wait3A = arith.constant 0 : i32
      %dma_wait3A_42 = tpu.memref_slice %arg6[%add3A_15, %dma_wait3A] : memref<10240x128xf32, #tpu.memory_space<vmem_shared>> -> memref<128x128xf32, #tpu.memory_space<vmem_shared>>
      %dma_wait3A_43 = arith.constant 0 : i32
      %dma_wait3A_44 = tpu.memref_slice %arg6[%add3A_15, %dma_wait3A_43] : memref<10240x128xf32, #tpu.memory_space<vmem_shared>> -> memref<128x128xf32, #tpu.memory_space<vmem_shared>>
      tpu.wait_dma2 semaphore(%run_scoped3A : memref<!tpu.dma_semaphore, #tpu.memory_space<semaphore_mem>>) src(%arg9 : memref<128x128xf32, #tpu.memory_space<vmem>>) dst(%dma_wait3A_44 : memref<128x128xf32, #tpu.memory_space<vmem_shared>>)
      tpu.yield
    }) : () -> ()
    %add3A_16 = arith.constant 512 : i32
    %add3A_17 = arith.addi %mul3A_2, %add3A_16 : i32
    "tpu.region"() ({
      %run_scoped3A = tpu.sem_alloc : memref<!tpu.dma_semaphore, #tpu.memory_space<semaphore_mem>>
      %dma_start3A = arith.constant 0 : i32
      %dma_start3A_39 = tpu.memref_slice %arg6[%add3A_17, %dma_start3A] : memref<10240x128xf32, #tpu.memory_space<vmem_shared>> -> memref<128x128xf32, #tpu.memory_space<vmem_shared>>
      %dma_start3A_40 = arith.constant 0 : i32
      %dma_start3A_41 = tpu.memref_slice %arg6[%add3A_17, %dma_start3A_40] : memref<10240x128xf32, #tpu.memory_space<vmem_shared>> -> memref<128x128xf32, #tpu.memory_space<vmem_shared>>
      tpu.enqueue_dma source(%arg9 : memref<128x128xf32, #tpu.memory_space<vmem>>) target(%dma_start3A_41 : memref<128x128xf32, #tpu.memory_space<vmem_shared>>) target_semaphore(%run_scoped3A : memref<!tpu.dma_semaphore, #tpu.memory_space<semaphore_mem>>)
      %dma_wait3A = arith.constant 0 : i32
      %dma_wait3A_42 = tpu.memref_slice %arg6[%add3A_17, %dma_wait3A] : memref<10240x128xf32, #tpu.memory_space<vmem_shared>> -> memref<128x128xf32, #tpu.memory_space<vmem_shared>>
      %dma_wait3A_43 = arith.constant 0 : i32
      %dma_wait3A_44 = tpu.memref_slice %arg6[%add3A_17, %dma_wait3A_43] : memref<10240x128xf32, #tpu.memory_space<vmem_shared>> -> memref<128x128xf32, #tpu.memory_space<vmem_shared>>
      tpu.wait_dma2 semaphore(%run_scoped3A : memref<!tpu.dma_semaphore, #tpu.memory_space<semaphore_mem>>) src(%arg9 : memref<128x128xf32, #tpu.memory_space<vmem>>) dst(%dma_wait3A_44 : memref<128x128xf32, #tpu.memory_space<vmem_shared>>)
      tpu.yield
    }) : () -> ()
    %barrier3A = arith.constant 0 : index
    tpu.barrier barrier_id(%barrier3A)
    %eq3A = arith.constant 1 : i32
    %eq3A_18 = arith.cmpi eq, %arg0, %eq3A : i32
    %mul3A_19 = arith.constant 80 : i32
    %mul3A_20 = arith.muli %arg1, %mul3A_19 : i32
    %mul3A_21 = arith.constant 80 : i32
    %mul3A_22 = arith.muli %arg1, %mul3A_21 : i32
    %add3A_23 = arith.constant 1280 : i32
    %add3A_24 = arith.addi %add3A_23, %mul3A_22 : i32
    %select_n3A = arith.select %eq3A_18, %mul3A_20, %add3A_24 : i32
    %eq3A_25 = arith.constant 1 : i32
    %eq3A_26 = arith.cmpi eq, %arg0, %eq3A_25 : i32
    %jit3A = arith.constant 80 : i32
    %jit3A_27 = arith.constant 80 : i32
    %select_n3A_28 = arith.select %eq3A_26, %jit3A, %jit3A_27 : i32
    "tpu.region"() ({
      %run_scoped3A = tpu.sem_alloc : memref<!tpu.dma_semaphore, #tpu.memory_space<semaphore_mem>>
      %dma_start3A = arith.constant 0 : i32
      %dma_start3A_39 = tpu.memref_slice %arg3[%select_n3A, %dma_start3A] : memref<2640x128xi32, #tpu.memory_space<hbm>> -> memref<80x128xi32, #tpu.memory_space<hbm>>
      %dma_start3A_40 = arith.constant 0 : i32
      %dma_start3A_41 = tpu.memref_slice %arg3[%select_n3A, %dma_start3A_40] : memref<2640x128xi32, #tpu.memory_space<hbm>> -> memref<80x128xi32, #tpu.memory_space<hbm>>
      tpu.enqueue_dma source(%dma_start3A_41 : memref<80x128xi32, #tpu.memory_space<hbm>>) target(%arg7 : memref<80x128xi32, #tpu.memory_space<vmem>>) target_semaphore(%run_scoped3A : memref<!tpu.dma_semaphore, #tpu.memory_space<semaphore_mem>>)
      %dma_wait3A = arith.constant 0 : i32
      %dma_wait3A_42 = tpu.memref_slice %arg3[%select_n3A, %dma_wait3A] : memref<2640x128xi32, #tpu.memory_space<hbm>> -> memref<80x128xi32, #tpu.memory_space<hbm>>
      %dma_wait3A_43 = arith.constant 0 : i32
      %dma_wait3A_44 = tpu.memref_slice %arg3[%select_n3A, %dma_wait3A_43] : memref<2640x128xi32, #tpu.memory_space<hbm>> -> memref<80x128xi32, #tpu.memory_space<hbm>>
      tpu.wait_dma2 semaphore(%run_scoped3A : memref<!tpu.dma_semaphore, #tpu.memory_space<semaphore_mem>>) src(%dma_wait3A_44 : memref<80x128xi32, #tpu.memory_space<hbm>>) dst(%arg7 : memref<80x128xi32, #tpu.memory_space<vmem>>)
      tpu.yield
    }) : () -> ()
    "tpu.region"() ({
      %run_scoped3A = tpu.sem_alloc : memref<!tpu.dma_semaphore, #tpu.memory_space<semaphore_mem>>
      %dma_start3A = arith.constant 0 : i32
      %dma_start3A_39 = tpu.memref_slice %arg4[%select_n3A, %dma_start3A] : memref<2640x128xi32, #tpu.memory_space<hbm>> -> memref<80x128xi32, #tpu.memory_space<hbm>>
      %dma_start3A_40 = arith.constant 0 : i32
      %dma_start3A_41 = tpu.memref_slice %arg4[%select_n3A, %dma_start3A_40] : memref<2640x128xi32, #tpu.memory_space<hbm>> -> memref<80x128xi32, #tpu.memory_space<hbm>>
      tpu.enqueue_dma source(%dma_start3A_41 : memref<80x128xi32, #tpu.memory_space<hbm>>) target(%arg8 : memref<80x128xi32, #tpu.memory_space<vmem>>) target_semaphore(%run_scoped3A : memref<!tpu.dma_semaphore, #tpu.memory_space<semaphore_mem>>)
      %dma_wait3A = arith.constant 0 : i32
      %dma_wait3A_42 = tpu.memref_slice %arg4[%select_n3A, %dma_wait3A] : memref<2640x128xi32, #tpu.memory_space<hbm>> -> memref<80x128xi32, #tpu.memory_space<hbm>>
      %dma_wait3A_43 = arith.constant 0 : i32
      %dma_wait3A_44 = tpu.memref_slice %arg4[%select_n3A, %dma_wait3A_43] : memref<2640x128xi32, #tpu.memory_space<hbm>> -> memref<80x128xi32, #tpu.memory_space<hbm>>
      tpu.wait_dma2 semaphore(%run_scoped3A : memref<!tpu.dma_semaphore, #tpu.memory_space<semaphore_mem>>) src(%dma_wait3A_44 : memref<80x128xi32, #tpu.memory_space<hbm>>) dst(%arg8 : memref<80x128xi32, #tpu.memory_space<vmem>>)
      tpu.yield
    }) : () -> ()
    %while3A = arith.constant 0 : i32
    %while3A_29 = arith.constant 0 : i32
    %while3A_30 = arith.subi %select_n3A_28, %while3A_29 : i32
    %while3A_31 = arith.addi %while3A_29, %while3A_30 : i32
    %while3A_32 = arith.constant 1 : i32
    %while3A_33 = arith.divsi %while3A_30, %while3A_32 : i32
    %while3A_34 = arith.muli %while3A_33, %while3A_32 : i32
    %while3A_35 = arith.addi %while3A_29, %while3A_34 : i32
    %while3A_36 = arith.constant 1 : i32
    scf.for %while3A_39 = %while3A_29 to %while3A_35 step %while3A_36  : i32 {
      %dma_start3A = arith.constant 0 : i32
      %dma_start3A_40 = tpu.memref_slice %arg7[%while3A_39, %dma_start3A] : memref<80x128xi32, #tpu.memory_space<vmem>> -> memref<1x128xi32, #tpu.memory_space<vmem>>
      %dma_start3A_41 = tpu.memref_squeeze %dma_start3A_40 : memref<1x128xi32, #tpu.memory_space<vmem>> -> memref<128xi32, #tpu.memory_space<vmem>>
      %dma_start3A_42 = arith.constant 0 : i32
      %dma_start3A_43 = arith.constant 0 : i32
      %dma_start3A_44 = tpu.memref_slice %arg2[%dma_start3A_42, %dma_start3A_43] : memref<10240x128xf32, #tpu.memory_space<hbm>> -> memref<10240x128xf32, #tpu.memory_space<hbm>>
      tpu.enqueue_indirect_dma source(%dma_start3A_44 : memref<10240x128xf32, #tpu.memory_space<hbm>>) target(%arg9 : memref<128x128xf32, #tpu.memory_space<vmem>>) offsets(%dma_start3A_41 : memref<128xi32, #tpu.memory_space<vmem>>) semaphore(%arg10 : memref<!tpu.dma_semaphore, #tpu.memory_space<semaphore_mem>>)
      %dma_wait3A = arith.constant 0 : i32
      %dma_wait3A_45 = tpu.memref_slice %arg7[%while3A_39, %dma_wait3A] : memref<80x128xi32, #tpu.memory_space<vmem>> -> memref<1x128xi32, #tpu.memory_space<vmem>>
      %dma_wait3A_46 = tpu.memref_squeeze %dma_wait3A_45 : memref<1x128xi32, #tpu.memory_space<vmem>> -> memref<128xi32, #tpu.memory_space<vmem>>
      %dma_wait3A_47 = arith.constant 0 : i32
      %dma_wait3A_48 = arith.constant 0 : i32
      %dma_wait3A_49 = tpu.memref_slice %arg2[%dma_wait3A_47, %dma_wait3A_48] : memref<10240x128xf32, #tpu.memory_space<hbm>> -> memref<10240x128xf32, #tpu.memory_space<hbm>>
      tpu.wait_indirect_dma semaphore(%arg10 : memref<!tpu.dma_semaphore, #tpu.memory_space<semaphore_mem>>) src(%dma_wait3A_49 : memref<10240x128xf32, #tpu.memory_space<hbm>>) dst(%arg9 : memref<128x128xf32, #tpu.memory_space<vmem>>)
      "tpu.region"() ({
        %run_scoped3A = tpu.sem_alloc : memref<!tpu.dma_semaphore, #tpu.memory_space<semaphore_mem>>
        %dma_start3A_50 = arith.constant 0 : i32
        %dma_start3A_51 = tpu.memref_slice %arg8[%while3A_39, %dma_start3A_50] : memref<80x128xi32, #tpu.memory_space<vmem>> -> memref<1x128xi32, #tpu.memory_space<vmem>>
        %dma_start3A_52 = tpu.memref_squeeze %dma_start3A_51 : memref<1x128xi32, #tpu.memory_space<vmem>> -> memref<128xi32, #tpu.memory_space<vmem>>
        %dma_start3A_53 = arith.constant 0 : i32
        %dma_start3A_54 = arith.constant 0 : i32
        %dma_start3A_55 = tpu.memref_slice %arg6[%dma_start3A_53, %dma_start3A_54] : memref<10240x128xf32, #tpu.memory_space<vmem_shared>> -> memref<10240x128xf32, #tpu.memory_space<vmem_shared>>
        tpu.enqueue_indirect_dma source(%arg9 : memref<128x128xf32, #tpu.memory_space<vmem>>) target(%dma_start3A_55 : memref<10240x128xf32, #tpu.memory_space<vmem_shared>>) offsets(%dma_start3A_52 : memref<128xi32, #tpu.memory_space<vmem>>) semaphore(%run_scoped3A : memref<!tpu.dma_semaphore, #tpu.memory_space<semaphore_mem>>) {add = true}
        %dma_wait3A_56 = arith.constant 0 : i32
        %dma_wait3A_57 = tpu.memref_slice %arg8[%while3A_39, %dma_wait3A_56] : memref<80x128xi32, #tpu.memory_space<vmem>> -> memref<1x128xi32, #tpu.memory_space<vmem>>
        %dma_wait3A_58 = tpu.memref_squeeze %dma_wait3A_57 : memref<1x128xi32, #tpu.memory_space<vmem>> -> memref<128xi32, #tpu.memory_space<vmem>>
        %dma_wait3A_59 = arith.constant 0 : i32
        %dma_wait3A_60 = arith.constant 0 : i32
        %dma_wait3A_61 = tpu.memref_slice %arg6[%dma_wait3A_59, %dma_wait3A_60] : memref<10240x128xf32, #tpu.memory_space<vmem_shared>> -> memref<10240x128xf32, #tpu.memory_space<vmem_shared>>
        tpu.wait_indirect_dma semaphore(%run_scoped3A : memref<!tpu.dma_semaphore, #tpu.memory_space<semaphore_mem>>) src(%arg9 : memref<128x128xf32, #tpu.memory_space<vmem>>) dst(%dma_wait3A_61 : memref<10240x128xf32, #tpu.memory_space<vmem_shared>>)
        tpu.yield
      }) : () -> ()
    }
    %while3A_37 = arith.constant 1 : i32
    scf.for %while3A_39 = %while3A_35 to %while3A_31 step %while3A_37  : i32 {
      %dma_start3A = arith.constant 0 : i32
      %dma_start3A_40 = tpu.memref_slice %arg7[%while3A_39, %dma_start3A] : memref<80x128xi32, #tpu.memory_space<vmem>> -> memref<1x128xi32, #tpu.memory_space<vmem>>
      %dma_start3A_41 = tpu.memref_squeeze %dma_start3A_40 : memref<1x128xi32, #tpu.memory_space<vmem>> -> memref<128xi32, #tpu.memory_space<vmem>>
      %dma_start3A_42 = arith.constant 0 : i32
      %dma_start3A_43 = arith.constant 0 : i32
      %dma_start3A_44 = tpu.memref_slice %arg2[%dma_start3A_42, %dma_start3A_43] : memref<10240x128xf32, #tpu.memory_space<hbm>> -> memref<10240x128xf32, #tpu.memory_space<hbm>>
      tpu.enqueue_indirect_dma source(%dma_start3A_44 : memref<10240x128xf32, #tpu.memory_space<hbm>>) target(%arg9 : memref<128x128xf32, #tpu.memory_space<vmem>>) offsets(%dma_start3A_41 : memref<128xi32, #tpu.memory_space<vmem>>) semaphore(%arg10 : memref<!tpu.dma_semaphore, #tpu.memory_space<semaphore_mem>>)
      %dma_wait3A = arith.constant 0 : i32
      %dma_wait3A_45 = tpu.memref_slice %arg7[%while3A_39, %dma_wait3A] : memref<80x128xi32, #tpu.memory_space<vmem>> -> memref<1x128xi32, #tpu.memory_space<vmem>>
      %dma_wait3A_46 = tpu.memref_squeeze %dma_wait3A_45 : memref<1x128xi32, #tpu.memory_space<vmem>> -> memref<128xi32, #tpu.memory_space<vmem>>
      %dma_wait3A_47 = arith.constant 0 : i32
      %dma_wait3A_48 = arith.constant 0 : i32
      %dma_wait3A_49 = tpu.memref_slice %arg2[%dma_wait3A_47, %dma_wait3A_48] : memref<10240x128xf32, #tpu.memory_space<hbm>> -> memref<10240x128xf32, #tpu.memory_space<hbm>>
      tpu.wait_indirect_dma semaphore(%arg10 : memref<!tpu.dma_semaphore, #tpu.memory_space<semaphore_mem>>) src(%dma_wait3A_49 : memref<10240x128xf32, #tpu.memory_space<hbm>>) dst(%arg9 : memref<128x128xf32, #tpu.memory_space<vmem>>)
      "tpu.region"() ({
        %run_scoped3A = tpu.sem_alloc : memref<!tpu.dma_semaphore, #tpu.memory_space<semaphore_mem>>
        %dma_start3A_50 = arith.constant 0 : i32
        %dma_start3A_51 = tpu.memref_slice %arg8[%while3A_39, %dma_start3A_50] : memref<80x128xi32, #tpu.memory_space<vmem>> -> memref<1x128xi32, #tpu.memory_space<vmem>>
        %dma_start3A_52 = tpu.memref_squeeze %dma_start3A_51 : memref<1x128xi32, #tpu.memory_space<vmem>> -> memref<128xi32, #tpu.memory_space<vmem>>
        %dma_start3A_53 = arith.constant 0 : i32
        %dma_start3A_54 = arith.constant 0 : i32
        %dma_start3A_55 = tpu.memref_slice %arg6[%dma_start3A_53, %dma_start3A_54] : memref<10240x128xf32, #tpu.memory_space<vmem_shared>> -> memref<10240x128xf32, #tpu.memory_space<vmem_shared>>
        tpu.enqueue_indirect_dma source(%arg9 : memref<128x128xf32, #tpu.memory_space<vmem>>) target(%dma_start3A_55 : memref<10240x128xf32, #tpu.memory_space<vmem_shared>>) offsets(%dma_start3A_52 : memref<128xi32, #tpu.memory_space<vmem>>) semaphore(%run_scoped3A : memref<!tpu.dma_semaphore, #tpu.memory_space<semaphore_mem>>) {add = true}
        %dma_wait3A_56 = arith.constant 0 : i32
        %dma_wait3A_57 = tpu.memref_slice %arg8[%while3A_39, %dma_wait3A_56] : memref<80x128xi32, #tpu.memory_space<vmem>> -> memref<1x128xi32, #tpu.memory_space<vmem>>
        %dma_wait3A_58 = tpu.memref_squeeze %dma_wait3A_57 : memref<1x128xi32, #tpu.memory_space<vmem>> -> memref<128xi32, #tpu.memory_space<vmem>>
        %dma_wait3A_59 = arith.constant 0 : i32
        %dma_wait3A_60 = arith.constant 0 : i32
        %dma_wait3A_61 = tpu.memref_slice %arg6[%dma_wait3A_59, %dma_wait3A_60] : memref<10240x128xf32, #tpu.memory_space<vmem_shared>> -> memref<10240x128xf32, #tpu.memory_space<vmem_shared>>
        tpu.wait_indirect_dma semaphore(%run_scoped3A : memref<!tpu.dma_semaphore, #tpu.memory_space<semaphore_mem>>) src(%arg9 : memref<128x128xf32, #tpu.memory_space<vmem>>) dst(%dma_wait3A_61 : memref<10240x128xf32, #tpu.memory_space<vmem_shared>>)
        tpu.yield
      }) : () -> ()
    }
    %barrier3A_38 = arith.constant 0 : index
    tpu.barrier barrier_id(%barrier3A_38)
    "tpu.region"() ({
      %run_scoped3A = tpu.sem_alloc : memref<!tpu.dma_semaphore, #tpu.memory_space<semaphore_mem>>
      %dma_start3A = arith.constant 0 : i32
      %dma_start3A_39 = tpu.memref_slice %arg5[%arg0, %mul3A_2, %dma_start3A] : memref<2x10240x128xf32, #tpu.memory_space<hbm>> -> memref<1x640x128xf32, #tpu.memory_space<hbm>>
      %dma_start3A_40 = tpu.memref_squeeze %dma_start3A_39 : memref<1x640x128xf32, #tpu.memory_space<hbm>> -> memref<640x128xf32, #tpu.memory_space<hbm>>
      %dma_start3A_41 = arith.constant 0 : i32
      %dma_start3A_42 = tpu.memref_slice %arg6[%mul3A_2, %dma_start3A_41] : memref<10240x128xf32, #tpu.memory_space<vmem_shared>> -> memref<640x128xf32, #tpu.memory_space<vmem_shared>>
      tpu.enqueue_dma source(%dma_start3A_42 : memref<640x128xf32, #tpu.memory_space<vmem_shared>>) target(%dma_start3A_40 : memref<640x128xf32, #tpu.memory_space<hbm>>) target_semaphore(%run_scoped3A : memref<!tpu.dma_semaphore, #tpu.memory_space<semaphore_mem>>)
      %dma_wait3A = arith.constant 0 : i32
      %dma_wait3A_43 = tpu.memref_slice %arg5[%arg0, %mul3A_2, %dma_wait3A] : memref<2x10240x128xf32, #tpu.memory_space<hbm>> -> memref<1x640x128xf32, #tpu.memory_space<hbm>>
      %dma_wait3A_44 = tpu.memref_squeeze %dma_wait3A_43 : memref<1x640x128xf32, #tpu.memory_space<hbm>> -> memref<640x128xf32, #tpu.memory_space<hbm>>
      %dma_wait3A_45 = arith.constant 0 : i32
      %dma_wait3A_46 = tpu.memref_slice %arg6[%mul3A_2, %dma_wait3A_45] : memref<10240x128xf32, #tpu.memory_space<vmem_shared>> -> memref<640x128xf32, #tpu.memory_space<vmem_shared>>
      tpu.wait_dma2 semaphore(%run_scoped3A : memref<!tpu.dma_semaphore, #tpu.memory_space<semaphore_mem>>) src(%dma_wait3A_46 : memref<640x128xf32, #tpu.memory_space<vmem_shared>>) dst(%dma_wait3A_44 : memref<640x128xf32, #tpu.memory_space<hbm>>)
      tpu.yield
    }) : () -> ()
    return
  }
}

module attributes {stable_mosaic.version = 14 : i64} {
  func.func @_k1_body(%arg0: i32, %arg1: memref<512x128xf32, #tpu.memory_space<vmem>>, %arg2: memref<128x128xf32, #tpu.memory_space<vmem>>, %arg3: memref<32x512xf32, #tpu.memory_space<vmem>>, %arg4: memref<512x128xf32, #tpu.memory_space<vmem>>) attributes {dimension_semantics = [#tpu.dimension_semantics<arbitrary>], iteration_bounds = array<i64: 20>, scalar_prefetch = 0 : i64, scratch_operands = 0 : i64, tpu.core_type = #tpu.core_type<tc>, window_params = [{transform_indices = @transform_0, window_bounds = array<i64: 512, 128>}, {pipeline_mode = #tpu.pipeline_mode<synchronous>, transform_indices = @transform_1, window_bounds = array<i64: 128, 128>}, {transform_indices = @transform_2, window_bounds = array<i64: 32, 512>}, {transform_indices = @transform_3, window_bounds = array<i64: 512, 128>}]} {
    %get3A = arith.constant 0 : index
    %get3A_0 = arith.constant 0 : index
    %get3A_1 = vector.load %arg1[%get3A, %get3A_0] : memref<512x128xf32, #tpu.memory_space<vmem>>, vector<512x128xf32>
    %get3A_2 = arith.constant 0 : index
    %get3A_3 = arith.constant 0 : index
    %get3A_4 = vector.load %arg2[%get3A_2, %get3A_3] : memref<128x128xf32, #tpu.memory_space<vmem>>, vector<128x128xf32>
    %dot_general3A = arith.constant dense<0.000000e+00> : vector<512x128xf32>
    %dot_general3A_5 = tpu.matmul %get3A_1, %get3A_4, %dot_general3A {dimension_numbers = #tpu.dot_dimension_numbers<[1], [0], [0], [1], [0, 0, 1, 1], [], []>, precision = #tpu.contract_precision<fp32>, transpose_lhs_hint = false} : vector<512x128xf32>, vector<128x128xf32>, vector<512x128xf32> -> vector<512x128xf32>
    %get3A_6 = arith.constant 0 : index
    %get3A_7 = arith.constant 0 : index
    %get3A_8 = vector.load %arg3[%get3A_6, %get3A_7] : memref<32x512xf32, #tpu.memory_space<vmem>>, vector<32x512xf32>
    %reduce_sum3A = arith.constant dense<0.000000e+00> : vector<512xf32>
    %reduce_sum3A_9 = vector.multi_reduction <add>, %get3A_8, %reduce_sum3A [0] : vector<32x512xf32> to vector<512xf32>
    %add3A = arith.constant 1.000000e+00 : f32
    %add3A_10 = vector.broadcast %add3A : f32 to vector<512xf32>
    %add3A_11 = arith.addf %reduce_sum3A_9, %add3A_10 : vector<512xf32>
    %rsqrt3A = math.rsqrt %add3A_11 : vector<512xf32>
    %broadcast_in_dim3A = vector.shape_cast %rsqrt3A : vector<512xf32> to vector<512x1xf32>
    %mul3A = vector.broadcast %broadcast_in_dim3A : vector<512x1xf32> to vector<512x128xf32>
    %mul3A_12 = arith.mulf %mul3A, %dot_general3A_5 : vector<512x128xf32>
    %swap3A = arith.constant 0 : index
    %swap3A_13 = arith.constant 0 : index
    %swap3A_14 = vector.load %arg4[%swap3A, %swap3A_13] : memref<512x128xf32, #tpu.memory_space<vmem>>, vector<512x128xf32>
    tpu.vector_store %arg4[%swap3A, %swap3A_13], %mul3A_12 {strides = array<i32>} : memref<512x128xf32, #tpu.memory_space<vmem>>, vector<512x128xf32>,
    return
  }
  func.func @transform_0(%arg0: i32) -> (i32, i32) {
    %c0_i32 = arith.constant 0 : i32
    %c0_i32_0 = arith.constant 0 : i32
    return %arg0, %c0_i32 : i32, i32
  }
  func.func @transform_1(%arg0: i32) -> (i32, i32) {
    %c0_i32 = arith.constant 0 : i32
    %c0_i32_0 = arith.constant 0 : i32
    %c0_i32_1 = arith.constant 0 : i32
    return %c0_i32, %c0_i32_0 : i32, i32
  }
  func.func @transform_2(%arg0: i32) -> (i32, i32) {
    %c0_i32 = arith.constant 0 : i32
    %c0_i32_0 = arith.constant 0 : i32
    return %c0_i32, %arg0 : i32, i32
  }
  func.func @transform_3(%arg0: i32) -> (i32, i32) {
    %c0_i32 = arith.constant 0 : i32
    %c0_i32_0 = arith.constant 0 : i32
    return %arg0, %c0_i32 : i32, i32
  }
}

module attributes {stable_mosaic.version = 14 : i64} {
  func.func @_k2_body(%arg0: i32, %arg1: memref<512x128xf32, #tpu.memory_space<vmem>>, %arg2: memref<512x128xf32, #tpu.memory_space<vmem>>, %arg3: memref<512x128xf32, #tpu.memory_space<vmem>>, %arg4: memref<32x512xf32, #tpu.memory_space<vmem>>, %arg5: memref<1x128xf32, #tpu.memory_space<vmem>>, %arg6: memref<128x128xf32, #tpu.memory_space<vmem>>, %arg7: memref<512x128xf32, #tpu.memory_space<vmem>>) attributes {dimension_semantics = [#tpu.dimension_semantics<arbitrary>], iteration_bounds = array<i64: 20>, scalar_prefetch = 0 : i64, scratch_operands = 0 : i64, tpu.core_type = #tpu.core_type<tc>, window_params = [{transform_indices = @transform_0, window_bounds = array<i64: 512, 128>}, {transform_indices = @transform_1, window_bounds = array<i64: 512, 128>}, {transform_indices = @transform_2, window_bounds = array<i64: 512, 128>}, {transform_indices = @transform_3, window_bounds = array<i64: 32, 512>}, {pipeline_mode = #tpu.pipeline_mode<synchronous>, transform_indices = @transform_4, window_bounds = array<i64: 1, 128>}, {pipeline_mode = #tpu.pipeline_mode<synchronous>, transform_indices = @transform_5, window_bounds = array<i64: 128, 128>}, {transform_indices = @transform_6, window_bounds = array<i64: 512, 128>}]} {
    %get3A = arith.constant 0 : index
    %get3A_0 = arith.constant 0 : index
    %get3A_1 = vector.load %arg4[%get3A, %get3A_0] : memref<32x512xf32, #tpu.memory_space<vmem>>, vector<32x512xf32>
    %reduce_sum3A = arith.constant dense<0.000000e+00> : vector<512xf32>
    %reduce_sum3A_2 = vector.multi_reduction <add>, %get3A_1, %reduce_sum3A [0] : vector<32x512xf32> to vector<512xf32>
    %add3A = arith.constant 1.000000e+00 : f32
    %add3A_3 = vector.broadcast %add3A : f32 to vector<512xf32>
    %add3A_4 = arith.addf %reduce_sum3A_2, %add3A_3 : vector<512xf32>
    %rsqrt3A = math.rsqrt %add3A_4 : vector<512xf32>
    %broadcast_in_dim3A = vector.shape_cast %rsqrt3A : vector<512xf32> to vector<512x1xf32>
    %get3A_5 = arith.constant 0 : index
    %get3A_6 = arith.constant 0 : index
    %get3A_7 = vector.load %arg1[%get3A_5, %get3A_6] : memref<512x128xf32, #tpu.memory_space<vmem>>, vector<512x128xf32>
    %get3A_8 = arith.constant 0 : index
    %get3A_9 = arith.constant 0 : index
    %get3A_10 = vector.load %arg2[%get3A_8, %get3A_9] : memref<512x128xf32, #tpu.memory_space<vmem>>, vector<512x128xf32>
    %add3A_11 = arith.addf %get3A_7, %get3A_10 : vector<512x128xf32>
    %get3A_12 = arith.constant 0 : index
    %get3A_13 = arith.constant 0 : index
    %get3A_14 = vector.load %arg3[%get3A_12, %get3A_13] : memref<512x128xf32, #tpu.memory_space<vmem>>, vector<512x128xf32>
    %add3A_15 = arith.addf %add3A_11, %get3A_14 : vector<512x128xf32>
    %mul3A = vector.broadcast %broadcast_in_dim3A : vector<512x1xf32> to vector<512x128xf32>
    %mul3A_16 = arith.mulf %mul3A, %add3A_15 : vector<512x128xf32>
    %get3A_17 = arith.constant 0 : index
    %get3A_18 = arith.constant 0 : index
    %get3A_19 = vector.load %arg5[%get3A_17, %get3A_18] : memref<1x128xf32, #tpu.memory_space<vmem>>, vector<1x128xf32>
    %add3A_20 = vector.broadcast %get3A_19 : vector<1x128xf32> to vector<512x128xf32>
    %add3A_21 = arith.addf %mul3A_16, %add3A_20 : vector<512x128xf32>
    %max3A = arith.constant 0.000000e+00 : f32
    %max3A_22 = vector.broadcast %max3A : f32 to vector<512x128xf32>
    %max3A_23 = arith.maximumf %add3A_21, %max3A_22 : vector<512x128xf32>
    %get3A_24 = arith.constant 0 : index
    %get3A_25 = arith.constant 0 : index
    %get3A_26 = vector.load %arg6[%get3A_24, %get3A_25] : memref<128x128xf32, #tpu.memory_space<vmem>>, vector<128x128xf32>
    %dot_general3A = arith.constant dense<0.000000e+00> : vector<512x128xf32>
    %dot_general3A_27 = tpu.matmul %max3A_23, %get3A_26, %dot_general3A {dimension_numbers = #tpu.dot_dimension_numbers<[1], [0], [0], [1], [0, 0, 1, 1], [], []>, precision = #tpu.contract_precision<fp32>, transpose_lhs_hint = false} : vector<512x128xf32>, vector<128x128xf32>, vector<512x128xf32> -> vector<512x128xf32>
    %mul3A_28 = vector.broadcast %broadcast_in_dim3A : vector<512x1xf32> to vector<512x128xf32>
    %mul3A_29 = arith.mulf %mul3A_28, %dot_general3A_27 : vector<512x128xf32>
    %swap3A = arith.constant 0 : index
    %swap3A_30 = arith.constant 0 : index
    %swap3A_31 = vector.load %arg7[%swap3A, %swap3A_30] : memref<512x128xf32, #tpu.memory_space<vmem>>, vector<512x128xf32>
    tpu.vector_store %arg7[%swap3A, %swap3A_30], %mul3A_29 {strides = array<i32>} : memref<512x128xf32, #tpu.memory_space<vmem>>, vector<512x128xf32>,
    return
  }
  func.func @transform_0(%arg0: i32) -> (i32, i32) {
    %c0_i32 = arith.constant 0 : i32
    %c0_i32_0 = arith.constant 0 : i32
    return %arg0, %c0_i32 : i32, i32
  }
  func.func @transform_1(%arg0: i32) -> (i32, i32) {
    %c0_i32 = arith.constant 0 : i32
    %c0_i32_0 = arith.constant 0 : i32
    return %arg0, %c0_i32 : i32, i32
  }
  func.func @transform_2(%arg0: i32) -> (i32, i32) {
    %c0_i32 = arith.constant 0 : i32
    %c0_i32_0 = arith.constant 0 : i32
    return %arg0, %c0_i32 : i32, i32
  }
  func.func @transform_3(%arg0: i32) -> (i32, i32) {
    %c0_i32 = arith.constant 0 : i32
    %c0_i32_0 = arith.constant 0 : i32
    return %c0_i32, %arg0 : i32, i32
  }
  func.func @transform_4(%arg0: i32) -> (i32, i32) {
    %c0_i32 = arith.constant 0 : i32
    %c0_i32_0 = arith.constant 0 : i32
    %c0_i32_1 = arith.constant 0 : i32
    return %c0_i32, %c0_i32_0 : i32, i32
  }
  func.func @transform_5(%arg0: i32) -> (i32, i32) {
    %c0_i32 = arith.constant 0 : i32
    %c0_i32_0 = arith.constant 0 : i32
    %c0_i32_1 = arith.constant 0 : i32
    return %c0_i32, %c0_i32_0 : i32, i32
  }
  func.func @transform_6(%arg0: i32) -> (i32, i32) {
    %c0_i32 = arith.constant 0 : i32
    %c0_i32_0 = arith.constant 0 : i32
    return %arg0, %c0_i32 : i32, i32
  }
}

module attributes {stable_mosaic.version = 14 : i64} {
  func.func @_k3_body(%arg0: i32, %arg1: memref<512x128xf32, #tpu.memory_space<vmem>>, %arg2: memref<512x128xf32, #tpu.memory_space<vmem>>, %arg3: memref<512x128xf32, #tpu.memory_space<vmem>>, %arg4: memref<32x512xf32, #tpu.memory_space<vmem>>, %arg5: memref<1x128xf32, #tpu.memory_space<vmem>>, %arg6: memref<512x128xf32, #tpu.memory_space<vmem>>) attributes {dimension_semantics = [#tpu.dimension_semantics<arbitrary>], iteration_bounds = array<i64: 20>, scalar_prefetch = 0 : i64, scratch_operands = 0 : i64, tpu.core_type = #tpu.core_type<tc>, window_params = [{transform_indices = @transform_0, window_bounds = array<i64: 512, 128>}, {transform_indices = @transform_1, window_bounds = array<i64: 512, 128>}, {transform_indices = @transform_2, window_bounds = array<i64: 512, 128>}, {transform_indices = @transform_3, window_bounds = array<i64: 32, 512>}, {pipeline_mode = #tpu.pipeline_mode<synchronous>, transform_indices = @transform_4, window_bounds = array<i64: 1, 128>}, {transform_indices = @transform_5, window_bounds = array<i64: 512, 128>}]} {
    %get3A = arith.constant 0 : index
    %get3A_0 = arith.constant 0 : index
    %get3A_1 = vector.load %arg4[%get3A, %get3A_0] : memref<32x512xf32, #tpu.memory_space<vmem>>, vector<32x512xf32>
    %reduce_sum3A = arith.constant dense<0.000000e+00> : vector<512xf32>
    %reduce_sum3A_2 = vector.multi_reduction <add>, %get3A_1, %reduce_sum3A [0] : vector<32x512xf32> to vector<512xf32>
    %add3A = arith.constant 1.000000e+00 : f32
    %add3A_3 = vector.broadcast %add3A : f32 to vector<512xf32>
    %add3A_4 = arith.addf %reduce_sum3A_2, %add3A_3 : vector<512xf32>
    %rsqrt3A = math.rsqrt %add3A_4 : vector<512xf32>
    %broadcast_in_dim3A = vector.shape_cast %rsqrt3A : vector<512xf32> to vector<512x1xf32>
    %get3A_5 = arith.constant 0 : index
    %get3A_6 = arith.constant 0 : index
    %get3A_7 = vector.load %arg1[%get3A_5, %get3A_6] : memref<512x128xf32, #tpu.memory_space<vmem>>, vector<512x128xf32>
    %get3A_8 = arith.constant 0 : index
    %get3A_9 = arith.constant 0 : index
    %get3A_10 = vector.load %arg2[%get3A_8, %get3A_9] : memref<512x128xf32, #tpu.memory_space<vmem>>, vector<512x128xf32>
    %add3A_11 = arith.addf %get3A_7, %get3A_10 : vector<512x128xf32>
    %get3A_12 = arith.constant 0 : index
    %get3A_13 = arith.constant 0 : index
    %get3A_14 = vector.load %arg3[%get3A_12, %get3A_13] : memref<512x128xf32, #tpu.memory_space<vmem>>, vector<512x128xf32>
    %add3A_15 = arith.addf %add3A_11, %get3A_14 : vector<512x128xf32>
    %mul3A = vector.broadcast %broadcast_in_dim3A : vector<512x1xf32> to vector<512x128xf32>
    %mul3A_16 = arith.mulf %mul3A, %add3A_15 : vector<512x128xf32>
    %get3A_17 = arith.constant 0 : index
    %get3A_18 = arith.constant 0 : index
    %get3A_19 = vector.load %arg5[%get3A_17, %get3A_18] : memref<1x128xf32, #tpu.memory_space<vmem>>, vector<1x128xf32>
    %add3A_20 = vector.broadcast %get3A_19 : vector<1x128xf32> to vector<512x128xf32>
    %add3A_21 = arith.addf %mul3A_16, %add3A_20 : vector<512x128xf32>
    %swap3A = arith.constant 0 : index
    %swap3A_22 = arith.constant 0 : index
    %swap3A_23 = vector.load %arg6[%swap3A, %swap3A_22] : memref<512x128xf32, #tpu.memory_space<vmem>>, vector<512x128xf32>
    tpu.vector_store %arg6[%swap3A, %swap3A_22], %add3A_21 {strides = array<i32>} : memref<512x128xf32, #tpu.memory_space<vmem>>, vector<512x128xf32>,
    return
  }
  func.func @transform_0(%arg0: i32) -> (i32, i32) {
    %c0_i32 = arith.constant 0 : i32
    %c0_i32_0 = arith.constant 0 : i32
    return %arg0, %c0_i32 : i32, i32
  }
  func.func @transform_1(%arg0: i32) -> (i32, i32) {
    %c0_i32 = arith.constant 0 : i32
    %c0_i32_0 = arith.constant 0 : i32
    return %arg0, %c0_i32 : i32, i32
  }
  func.func @transform_2(%arg0: i32) -> (i32, i32) {
    %c0_i32 = arith.constant 0 : i32
    %c0_i32_0 = arith.constant 0 : i32
    return %arg0, %c0_i32 : i32, i32
  }
  func.func @transform_3(%arg0: i32) -> (i32, i32) {
    %c0_i32 = arith.constant 0 : i32
    %c0_i32_0 = arith.constant 0 : i32
    return %c0_i32, %arg0 : i32, i32
  }
  func.func @transform_4(%arg0: i32) -> (i32, i32) {
    %c0_i32 = arith.constant 0 : i32
    %c0_i32_0 = arith.constant 0 : i32
    %c0_i32_1 = arith.constant 0 : i32
    return %c0_i32, %c0_i32_0 : i32, i32
  }
  func.func @transform_5(%arg0: i32) -> (i32, i32) {
    %c0_i32 = arith.constant 0 : i32
    %c0_i32_0 = arith.constant 0 : i32
    return %arg0, %c0_i32 : i32, i32
  }
}

</mosaic_0001>

<sc_bundles>
// kernel: kernel.11.cloned.1.call-start
scs
__scs_entry_jumppad:
0x0: {  	(pc) =	sbr.rel $0x88, $3  }
0x1: {  	(tag) =	ssettag $0x0;
	lr =	simm.s32 $0x1  }
0x2: {  	[smem:$0x3F9B] =	sst lr;
	_ =	strace $0xD0000000  }
0x3: {  	_ = 	snop  }
0x4: {  	_ = 	snop  }
0x5: {  	_ = 	snop  }
0x6: {  	_ = 	snop  }
0x7: {  	_ = 	snop  }
__scs_overlays_trampoline_lowered:
0x8: {  	[smem:$0x3FAA] =	sst s0  }
0x9: {  	[smem:$0x3FAB] =	sst s1  }
0xa: {  	[smem:$0x3FAC] =	sst s2  }
0xb: {  	[smem:$0x3FAD] =	sst s3  }
0xc: {  	[smem:$0x3FAE] =	sst s4  }
0xd: {  	[smem:$0x3FAF] =	sst s5  }
0xe: {  	[smem:$0x3FB0] =	sst s6  }
0xf: {  	[smem:$0x3FB1] =	sst s7  }
0x10: {  	[smem:$0x3FB2] =	sst s8  }
0x11: {  	[smem:$0x3FB3] =	sst s9;
	s0 =	simm.s32 @!p0 $0x0  }
0x12: {  	s1 =	sld [smem:$0x3F99];
	s0 =	simm.s32 @p0 $0x1  }
0x13: {  	[smem:$0x3FB4] =	sst s0;
	s0 =	simm.s32 @!p1 $0x0  }
0x14: {  	s2 =	sld [smem:$0x3F98];
	s0 =	simm.s32 @p1 $0x1  }
0x15: {  	[smem:$0x3FB5] =	sst s0;
	s0 =	simm.s32 @!p2 $0x0  }
0x16: {  	s3 =	sld [smem:$0x3FDB];
	s0 =	simm.s32 @p2 $0x1  }
0x17: {  	s4 =	simm.s32 $0x1BF5;
	[smem:$0x3FB7] =	sst s0  }
0x18: {  	s0 =	sld [smem:$0x3F9A];
	_ =	swait.ge [sflag:s4], $0x0  }
0x19: {  	s7 =	sld [smem:$0x3F9B]  }
0x1a: {  	s8 =	sadd.s32 $0xFFFFE003, lr  }
0x1b: {  	s9 =	sadd.s32 $0xFFFFFEF7, lr;
	s5 =	simm.s32 $0xFFFFFFFF;
	p2 =	slt.u32 s8, $0xFFFFF086  }
0x1c: {  	p1 =	slt.u32 s9, $0xF7A;
	s5 =	simm.s32 @!p2 $0x0  }
0x1d: {  	s5 =	simm.s32 @p1 $0x1;
	p0 =	seq.s32 s7, s2  }
0x1e: {  	s7 =	smul.u32 @!p0 $0xF7A, s2;
	p2 =	seq.s32 @!p0 s5, $0x0  }
0x1f: {  	s9 =	smul.u32 $0xF7A, s1;
	s8 =	simm.s32 @!p0 $0x1BF5;
	p2 =	por !p2, p0  }
0x20: {  	[sflag:s8] =	ssyncset.s32 @!p0 $0xFFFFF086;
	s6 =	sadd.s32 @!p0 s3, s7;
	s7 =	simm.s32 @!p0 $0x108  }
0x21: {  	s3 =	sadd.s32 s3, s9;
	s6 =	sadd.s32 @!p0 $0x88, s6;
	s7 =	simm.s32 @p2 $0x1082  }
0x22: {  	[simem:s7], [sflag:s8] =	dma.local @!p0 [hbm:s6], $0xF7A  }
0x23: {  	s9 =	sor.u32 $0xD0000000, s2;
	s6 =	simm.s32 $0x108;
	_ =	swait.ge @!p0 [sflag:s8], $0x0  }
0x24: {  	s3 =	sadd.s32 $0x88, s3;
	s6 =	simm.s32 @!p1 $0x1082;
	[sflag:s4] =	ssyncset.s32 $0xFFFFF086  }
0x25: {  	[simem:s6], [sflag:s4] =	dma.local [hbm:s3], $0xF7A  }
0x26: {  	[smem:$0x3F9B] =	sst s1;
	(tag) =	ssettag s2;
	_ =	strace s9  }
0x27: {  	s1 =	sld [smem:$0x3FAB]  }
0x28: {  	s2 =	sld [smem:$0x3FAC]  }
0x29: {  	s4 =	sld [smem:$0x3FAE]  }
0x2a: {  	p0 =	seq.s32 s5, $0x0;
	s5 =	sld [smem:$0x3FAF]  }
0x2b: {  	s6 =	sld [smem:$0x3FB0]  }
0x2c: {  	s7 =	sld [smem:$0x3FB1]  }
0x2d: {  	s3 =	simm.s32 $0x108;
	s8 =	sld [smem:$0x3FB2]  }
0x2e: {  	s3 =	simm.s32 @!p0 $0x1082;
	s9 =	sld [smem:$0x3FB3]  }
0x2f: {  	lr =	sadd.s32 s0, s3;
	s0 =	sld [smem:$0x3FAA]  }
0x30: {  	s3 =	sld [smem:$0x3FAD]  }
0x31: {  	[smem:$0x3FB6] =	sst s10  }
0x32: {  	s10 =	sld [smem:$0x3FB4];
	_ =	sdelay $0x3  }
0x33: {  	p0 =	seq.s32 s10, $0x1;
	s10 =	sld [smem:$0x3FB6];
	_ =	sdelay $0x3  }
0x34: {  	[smem:$0x3FB6] =	sst s10  }
0x35: {  	s10 =	sld [smem:$0x3FB5];
	_ =	sdelay $0x3  }
0x36: {  	p1 =	seq.s32 s10, $0x1;
	s10 =	sld [smem:$0x3FB6];
	_ =	sdelay $0x3  }
0x37: {  	[smem:$0x3FB6] =	sst s10  }
0x38: {  	s10 =	sld [smem:$0x3FB7]  }
0x39: {  	_ = 	snop;
	(pc) =	sbr.ind lr, $3  }
0x3a: {  	_ = 	snop  }
0x3b: {  	_ = 	snop  }
0x3c: {  	p2 =	seq.s32 s10, $0x1;
	s10 =	sld [smem:$0x3FB6]  }
0x3d: {  	_ =	shalt  }
0x3e: {  	_ =	shalt  }
0x3f: {  	_ =	shalt  }
0x40: {  	_ =	shalt  }
0x41: {  	_ =	shalt  }
0x42: {  	_ =	shalt  }
0x43: {  	_ =	shalt  }
0x44: {  	_ =	shalt  }
0x45: {  	_ =	shalt  }
0x46: {  	_ =	shalt  }
0x47: {  	_ =	shalt  }
0x48: {  	_ =	shalt  }
0x49: {  	_ =	shalt  }
0x4a: {  	_ =	shalt  }
0x4b: {  	_ =	shalt  }
0x4c: {  	_ =	shalt  }
0x4d: {  	_ =	shalt  }
0x4e: {  	_ =	shalt  }
0x4f: {  	_ =	shalt  }
0x50: {  	_ =	shalt  }
0x51: {  	_ =	shalt  }
0x52: {  	_ =	shalt  }
0x53: {  	_ =	shalt  }
0x54: {  	_ =	shalt  }
0x55: {  	_ =	shalt  }
0x56: {  	_ =	shalt  }
0x57: {  	_ =	shalt  }
0x58: {  	_ =	shalt  }
0x59: {  	_ =	shalt  }
0x5a: {  	_ =	shalt  }
0x5b: {  	_ =	shalt  }
0x5c: {  	_ =	shalt  }
0x5d: {  	_ =	shalt  }
0x5e: {  	_ =	shalt  }
0x5f: {  	_ =	shalt  }
0x60: {  	_ =	shalt  }
0x61: {  	_ =	shalt  }
0x62: {  	_ =	shalt  }
0x63: {  	_ =	shalt  }
0x64: {  	_ =	shalt  }
0x65: {  	_ =	shalt  }
0x66: {  	_ =	shalt  }
0x67: {  	_ =	shalt  }
0x68: {  	_ =	shalt  }
0x69: {  	_ =	shalt  }
0x6a: {  	_ =	shalt  }
0x6b: {  	_ =	shalt  }
0x6c: {  	_ =	shalt  }
0x6d: {  	_ =	shalt  }
0x6e: {  	_ =	shalt  }
0x6f: {  	_ =	shalt  }
0x70: {  	_ =	shalt  }
0x71: {  	_ =	shalt  }
0x72: {  	_ =	shalt  }
0x73: {  	_ =	shalt  }
0x74: {  	_ =	shalt  }
0x75: {  	_ =	shalt  }
0x76: {  	_ =	shalt  }
0x77: {  	_ =	shalt  }
0x78: {  	_ =	shalt  }
0x79: {  	_ =	shalt  }
0x7a: {  	_ =	shalt  }
0x7b: {  	_ =	shalt  }
0x7c: {  	_ =	shalt  }
0x7d: {  	_ =	shalt  }
0x7e: {  	_ =	shalt  }
0x7f: {  	_ =	shalt  }
0x80: {  	_ =	shalt  }
0x81: {  	_ =	shalt  }
0x82: {  	_ =	shalt  }
0x83: {  	_ =	shalt  }
0x84: {  	_ =	shalt  }
0x85: {  	_ =	shalt  }
0x86: {  	_ =	shalt  }
0x87: {  	_ =	shalt  }
.Lfunc_end0:
.L_simem_size_0:
called_computation.1_lowered:
.L_overlay_start_0:
0x88: {  	s2 =	sld [smem:$0x3FD9]  }
0x89: {  	s3 =	sld [smem:$0x3FFE];
	_ =	sdelay $0x1  }
0x8a: {  	s1 =	srdreg.scid  }
0x8b: {  	s0 =	sand.u32 $0x1, s1  }
0x8c: {  	s17 =	sshll.u32 s0, $0xA;
	s2 =	sadd.s32 s3, s2  }
0x8d: {  	s2 =	sadd.s32 s2, s17  }
0x8e: {  	[smem:$0x3FC2] =	sst s2  }
0x8f: {  	_ = 	snop  }
0x90: {  	s2 =	sld [smem:$0x3FD0];
	(tm) =	ssettm $0x1  }
0x91: {  	s18 =	sld [smem:$0x3FFB];
	_ =	sdelay $0x3  }
0x92: {  	_ =	strace s18  }
0x93: {  	s3 =	sld [smem:$0x3FFC];
	_ =	sdelay $0x3  }
0x94: {  	_ =	strace s3  }
0x95: {  	s3 =	sld [smem:$0x3FFD];
	_ =	sdelay $0x3  }
0x96: {  	_ =	strace s3  }
0x97: {  	_ =	strace $0x8FFFFFFF  }
0x98: {  	s19 =	sld [smem:$0x3FDB];
	_ =	sdelay $0x1  }
0x99: {  	s4 =	simm.s32 $_scs_section_size  }
0x9a: {  	s5 =	simm.s32 $_size__tile_overlayer_lowered;
	s6 =	simm.s32 $_tile_overlayer_lowered  }
0x9b: {  	s22 =	simm.s32 $0x1BFF;
	s21 =	sshll.u32 s6, $0x1;
	s3 =	sadd.s32 s4, s19  }
0x9c: {  	s7 =	simm.s32 $0x0;
	s20 =	sshll.u32 s5, $0x1;
	s5 =	sadd.s32 s21, s3  }
0x9d: {  	[timem:s7], [sflag:s22] =	dma.local [hbm:s5], s20  }
0x9e: {  	_ =	swait.ge [sflag:s22], s20  }
0x9f: {  	s4 =	ssub.s32 $0x0, s20;
	[sflag:s22] =	ssyncset.done $0x0  }
0xa0: {  	[sflag:s22] =	ssyncadd.s32 s4;
	_ =	sdelay $0x1  }
0xa1: {  	s23 =	simm.s32 $0x1B8B  }
0xa2: {  	_ =	swait.ge [sflag:s23], $0x1  }
0xa3: {  	[sflag:s23] =	ssyncset.done $0x0  }
0xa4: {  	s25 =	simm.s32 $0x1B8E;
	s24 =	sld [smem:$0x3FFE];
	[sflag:s23] =	ssyncadd.s32 $0xFFFFFFFF  }
0xa5: {  	s26 =	simm.s32 $execute0_lowered;
	[smem:$0x3FD2] =	sst s25  }
0xa6: {  	s5 =	sshll.u32 s26, $0x1;
	_ =	strace $0x80000049;
	[dreg:$0x1] =	wrdreg $0xFFFFFFFF  }
0xa7: {  	s28 =	simm.s32 $_size_execute0_lowered;
	s3 =	sadd.s32 s3, s5;
	[dreg:$0x0] =	wrdreg $0x0  }
0xa8: {  	s5 =	sshll.u32 s28, $0x1;
	[dreg:$0x2] =	wrdreg s3  }
0xa9: {  	[dreg:$0x3] =	wrdreg s5  }
0xaa: {  	[dreg:$0x4] =	wrdreg $0xC0  }
0xab: {  	_ =	task [dreg:s7], $0x5FFFF  }
0xac: {  	[dreg:$0x1] =	wrdreg $0xFFFFFFFF  }
0xad: {  	[dreg:$0x0] =	wrdreg $0x60  }
0xae: {  	[dreg:$0x2] =	wrdreg s24  }
0xaf: {  	[dreg:$0x3] =	wrdreg s2  }
0xb0: {  	[dreg:$0x4] =	wrdreg $0x0  }
0xb1: {  	[dreg:$0x5] =	wrdreg $0x9  }
0xb2: {  	_ =	task.clear_ibuf [dreg:s7], $0x6FFFF;
	_ =	strace $0x90000049  }
0xb3: {  	s29 =	simm.s32 $0x9;
	_ =	strace $0x8000004B  }
0xb4: {  	_ =	swait.ge [sflag:s29], $0x1  }
0xb5: {  	[sflag:s29] =	ssyncadd.s32 $0xFFFFFFFF  }
0xb6: {  	_ =	strace $0x9000004B  }
0xb7: {  	_ =	sfence  }
0xb8: {  	s30 =	sld [smem:$0x0];
	_ =	sdelay $0x2  }
0xb9: {  	s31 =	sshll.u32 s1, $0xD;
	s1 =	sshrl.u32 s1, $0x2  }
0xba: {  	s3 =	sand.u32 $0x4000, s31;
	s1 =	sadd.s32 s1, s30  }
0xbb: {  	s0 =	sor.u32 s3, s0;
	s1 =	sshll.u32 s1, $0x11  }
0xbc: {  	s0 =	sor.u32 s1, s0  }
0xbd: {  	s0 =	sadd.s32 $0x8F2B, s0  }
0xbe: {  	[sflag:s0] =	ssyncadd.remote.s32 $0x1  }
0xbf: {  	_ =	sfence.sel $0xFFFF  }
0xc0: {  	[dreg:$0x0] =	wrdreg $0xFFFFFFFF;
	(pc) =	sbr.abs _section_cstart, $3  }
0xc1: {  	[dreg:$0x1] =	wrdreg $0xFFFFFFFF  }
0xc2: {  	_ =	task.clear_ibuf [dreg:s7], $0x2FFFF;
	_ =	strace $0x9FFFFFFF  }
0xc3: {  	(tm) =	ssettm $0x7FFFFFFF  }
tec
execute0_lowered:
.L_overlay_start_1:
0x0: {  	(tag) =	ssettag $0x1  }
0x1: {  	s6 =	rddreg [dreg:$0x0]  }
0x2: {  	s11 =	rddreg [dreg:$0x1]  }
0x3: {  	s2 =	rddreg [dreg:$0x2]  }
0x4: {  	s0 =	stileid.u32;
	s3 =	srdreg.scid  }
0x5: {  	s1 =	rddreg [dreg:$0x3];
	s15 =	simm.s32 $0x2;
	s16 =	simm.s32 $0x14000  }
0x6: {  	s17 =	simm.s32 $0x16800;
	s18 =	simm.s32 $0x80;
	s4 =	smul.u32 $0x2800, s0  }
0x7: {  	s19 =	simm.s32 $0x1;
	s5 =	sand.u32 $0x1, s3;
	s28 =	smul.u32 $0x14000, s0  }
0x8: {  	s3 =	simm.s32 $0x0;
	s9 =	smul.u32 $0x50000, s0;
	s20 =	sshll.u32 s0, $0x6  }
0x9: {  	p0 =	seq.s32 s5, $0x0;
	s8 =	smul.u32 $0x140000, s5;
	[smem:$0x7FF] =	sst s3  }
0xa: {  	s29 =	ssub.s32 $0x2, s5;
	s20 =	sor.u32 $0x1C02, s20;
	s7 =	sadd.s32 $0x28000, s4  }
0xb: {  	_ =	strace $0x8000004A;
	s30 =	sshrl.u32 s9, $0x2;
	s31 =	sshrl.u32 s29, $0x1  }
0xc: {  	s4 =	smov.u32 @p0 s7;
	s7 =	sadd.s32 s28, s8;
	s5 =	sadd.s32 s30, s2  }
0xd: {  	s14 =	ssub.s32 s29, s31;
	s12 =	sshrl.u32 s4, $0x3;
	s4 =	sadd.s32 $0xD000, s6  }
0xe: {  	s7 =	sshrl.u32 s7, $0x3;
	s8 =	sadd.s32 $0xC000, s5;
	s9 =	sadd.s32 $0x10000, s5  }
0xf: {  	s10 =	sadd.s32 s12, s6;
	s13 =	sadd.s32 s7, s6;
	s6 =	sadd.s32 $0x4000, s5  }
0x10: {  	s7 =	sadd.s32 $0x8000, s5;
	s11 =	sadd.s32 s11, s12;
	s10 =	sadd.s32 $0x2A00, s10  }
0x11: {  	v0 =	vimm.f32 $0.0e+00;
	s12 =	sadd.s32 $0x35000, s13;
	s13 =	smax.u32 s14, $0x1;
	s14 =	simm.s32 $0x19000  }
.LBB2_1:
0x12: {  	s21 =	simm.s32 $0x0;
	s22 =	simm.s32 $0x200  }
.LBB2_2:
0x13: {  	p0 =	sne.s32 s22, $0xFE00;
	[tilespmem:s21+$0x19070] =	vst v0  }
0x14: {  	[tilespmem:s21+$0x19000] =	vst v0  }
0x15: {  	[tilespmem:s21+$0x19010] =	vst v0  }
.Ltmp0:
0x16: {  	[tilespmem:s21+$0x19020] =	vst v0;
	(pc) =	sbr.rel @p0 .LBB2_2-.Ltmp0, $4  }
0x17: {  	[tilespmem:s21+$0x19030] =	vst v0  }
0x18: {  	[tilespmem:s21+$0x19040] =	vst v0  }
0x19: {  	[tilespmem:s21+$0x19050] =	vst v0  }
0x1a: {  	[tilespmem:s21+$0x19060] =	vst v0;
	s21 =	sshra.s32 s22, $0x2;
	s22 =	sadd.s32 $0x200, s22  }
0x1b: {  	[tilespmem:s21+$0x19070] =	vst v0  }
0x1c: {  	[tilespmem:s21+$0x19000] =	vst v0  }
0x1d: {  	[tilespmem:s21+$0x19010] =	vst v0  }
0x1e: {  	[tilespmem:s21+$0x19020] =	vst v0  }
0x1f: {  	[tilespmem:s21+$0x19030] =	vst v0  }
0x20: {  	[tilespmem:s21+$0x19040] =	vst v0  }
0x21: {  	[tilespmem:s21+$0x19050] =	vst v0  }
0x22: {  	[tilespmem:s21+$0x19060] =	vst v0  }
0x23: {  	[spmem:s5] =	stream.linear.scatter [tilespmem:s14], [sflag:$0x2], $0x4000, $0x38;
	[tilespmem:$0x1D000] =	vst v63  }
0x24: {  	_ =	swait.ge [sflag:s15], $0x4000  }
0x25: {  	[sflag:s15] =	ssyncset.done $0x0  }
0x26: {  	[sflag:s15] =	ssyncadd.s32 $0xFFFFC000  }
0x27: {  	[spmem:s6] =	stream.linear.scatter [tilespmem:s14], [sflag:$0x2], $0x4000, $0x38;
	[tilespmem:$0x1D000] =	vst v63  }
0x28: {  	_ =	swait.ge [sflag:s15], $0x4000  }
0x29: {  	[sflag:s15] =	ssyncset.done $0x0  }
0x2a: {  	[sflag:s15] =	ssyncadd.s32 $0xFFFFC000  }
0x2b: {  	[spmem:s7] =	stream.linear.scatter [tilespmem:s14], [sflag:$0x2], $0x4000, $0x38;
	[tilespmem:$0x1D000] =	vst v63  }
0x2c: {  	_ =	swait.ge [sflag:s15], $0x4000  }
0x2d: {  	[sflag:s15] =	ssyncset.done $0x0  }
0x2e: {  	[sflag:s15] =	ssyncadd.s32 $0xFFFFC000  }
0x2f: {  	[spmem:s8] =	stream.linear.scatter [tilespmem:s14], [sflag:$0x2], $0x4000, $0x38;
	[tilespmem:$0x1D000] =	vst v63  }
0x30: {  	_ =	swait.ge [sflag:s15], $0x4000  }
0x31: {  	[sflag:s15] =	ssyncset.done $0x0  }
0x32: {  	[sflag:s15] =	ssyncadd.s32 $0xFFFFC000  }
0x33: {  	[spmem:s9] =	stream.linear.scatter [tilespmem:s14], [sflag:$0x2], $0x4000, $0x38;
	[tilespmem:$0x1D000] =	vst v63  }
0x34: {  	_ =	swait.ge [sflag:s15], $0x4000  }
0x35: {  	[sflag:s15] =	ssyncset.done $0x0  }
0x36: {  	[sflag:s15] =	ssyncadd.s32 $0xFFFFC000  }
0x37: {  	s29 =	simm.s32 $0x0;
	[bflag:$0x0] =	sbarrier.arrive $0xFFFF  }
0x38: {  	[tilespmem:s16], [sflag:$0x2] =	stream.linear.gather [hbm4b:s10+s29], $0x2800, $0x38;
	[tilespmem:$0x1D000] =	vst v63  }
0x39: {  	_ =	swait.ge [sflag:s15], $0x2800  }
0x3a: {  	[sflag:s15] =	ssyncset.done $0x0  }
0x3b: {  	[sflag:s15] =	ssyncadd.s32 $0xFFFFD800  }
0x3c: {  	[tilespmem:s17], [sflag:$0x2] =	stream.linear.gather [hbm4b:s11+s29], $0x2800, $0x38;
	[tilespmem:$0x1D000] =	vst v63  }
0x3d: {  	_ =	swait.ge [sflag:s15], $0x2800  }
0x3e: {  	[sflag:s15] =	ssyncset.done $0x0  }
0x3f: {  	s30 =	simm.s32 $0x14000;
	[sflag:s15] =	ssyncadd.s32 $0xFFFFD800  }
0x40: {  	[tilespmem:s14], [sflag:$0x1] =	stream.indirect.gather [hbm4b:s4+s18], $0x80, s30, s18, $0xb8;
	[tilespmem:$0x1D000] =	vst v63  }
0x41: {  	_ =	swait.ge [sflag:s19], $0x4000  }
0x42: {  	[sflag:s19] =	ssyncset.done $0x0  }
0x43: {  	s31 =	simm.s32 $0x16800;
	[sflag:s19] =	ssyncadd.s32 $0xFFFFC000  }
0x44: {  	[spmem:s2] =	stream.indirect.scatter.add.f32 [tilespmem:s14], [sflag:$0x2], $0x80, s31, s18, $0xb8;
	[tilespmem:$0x1D000] =	vst v63  }
0x45: {  	_ =	swait.ge [sflag:s15], $0x4000  }
0x46: {  	s22 =	simm.s32 $0x400;
	s21 =	simm.s32 $0x80;
	[sflag:s15] =	ssyncset.done $0x0  }
.LBB2_4:
0x47: {  	s23 =	sadd.s32 $0x14000, s21  }
0x48: {  	[sflag:s15] =	ssyncadd.s32 $0xFFFFC000;
	s24 =	smov.u32 s22;
	s25 =	sadd.s32 $0x200, s22  }
0x49: {  	[tilespmem:s14], [sflag:$0x1] =	stream.indirect.gather [hbm4b:s4+s18], $0x80, s23, s18, $0xb8;
	[tilespmem:$0x1D000] =	vst v63  }
0x4a: {  	p0 =	sne.s32 s22, $0x9E00;
	_ =	swait.ge [sflag:s19], $0x4000  }
.Ltmp1:
0x4b: {  	[sflag:s19] =	ssyncset.done $0x0;
	(pc) =	sbr.rel @p0 .LBB2_4-.Ltmp1, $4  }
0x4c: {  	s21 =	sadd.s32 $0x16800, s21;
	[sflag:s19] =	ssyncadd.s32 $0xFFFFC000  }
0x4d: {  	[spmem:s2] =	stream.indirect.scatter.add.f32 [tilespmem:s14], [sflag:$0x2], $0x80, s21, s18, $0xb8;
	[tilespmem:$0x1D000] =	vst v63  }
0x4e: {  	_ =	swait.ge [sflag:s15], $0x4000  }
0x4f: {  	s22 =	smov.u32 s25;
	s21 =	sshra.s32 s24, $0x2;
	[sflag:s15] =	ssyncset.done $0x0  }
0x50: {  	s22 =	sadd.s32 $0x14000, s21;
	[sflag:s15] =	ssyncadd.s32 $0xFFFFC000  }
0x51: {  	[tilespmem:s14], [sflag:$0x1] =	stream.indirect.gather [hbm4b:s4+s18], $0x80, s22, s18, $0xb8;
	[tilespmem:$0x1D000] =	vst v63  }
0x52: {  	_ =	swait.ge [sflag:s19], $0x4000  }
0x53: {  	[sflag:s19] =	ssyncset.done $0x0  }
0x54: {  	s30 =	sadd.s32 $0x16800, s21;
	[sflag:s19] =	ssyncadd.s32 $0xFFFFC000  }
0x55: {  	[spmem:s2] =	stream.indirect.scatter.add.f32 [tilespmem:s14], [sflag:$0x2], $0x80, s30, s18, $0xb8;
	[tilespmem:$0x1D000] =	vst v63  }
0x56: {  	_ =	swait.ge [sflag:s15], $0x4000  }
0x57: {  	s3 =	sadd.s32 $0x1, s3;
	[sflag:s15] =	ssyncset.done $0x0  }
0x58: {  	p0 =	sne.s32 s3, s13;
	[sflag:s15] =	ssyncadd.s32 $0xFFFFC000  }
.Ltmp2:
0x59: {  	s31 =	sshrl.u32 s5, $0x3;
	[bflag:$0x0] =	sbarrier.arrive $0xFFFF;
	(pc) =	sbr.rel @p0 .LBB2_1-.Ltmp2, $4  }
0x5a: {  	[hbm:s12], [sflag:s20] =	dma.local [spmem:s31], $0x2800  }
0x5b: {  	_ =	swait.ge [sflag:s15], $0x2800  }
0x5c: {  	[sflag:s15] =	ssyncset.done $0x0  }
0x5d: {  	[sflag:s15] =	ssyncadd.s32 $0xFFFFD800  }
0x5e: {  	_ =	sfence.sel $0x180000  }
0x5f: {  	[bflag:$0x0] =	sbarrier.arrive $0xFFFF  }
0x60: {  	p0 =	sne.s32 s0, $0x0;
	_ =	strace $0x9000004A  }
0x61: {  	s0 =	sadd.s32 @!p0 $0x100000, s1;
	[bflag:$0x2] =	sbarrier.arrive $0xFFFF  }
0x62: {  	[sflag:s0] =	ssyncadd.tile.s32 @!p0 $0x1;
	_ =	shalt  }
.Lfunc_end2:
_tile_overlayer_lowered:
.L_overlay_start_2:
0x63: {  	(tag) =	ssettag $0x2  }
0x64: {  	s0 =	rddreg [dreg:$0x0];
	s2 =	stileid.u32  }
0x65: {  	s1 =	rddreg [dreg:$0x1];
	p0 =	sne.s32 s2, $0x0  }
0x66: {  	s3 =	rddreg [dreg:$0x2];
	[bflag:$0x3] =	sbarrier.arrive $0xFFFF;
	s2 =	simm.s32 @!p0 $0x1C02  }
0x67: {  	[timem:s3], [sflag:s2] =	dma.local @!p0 [hbm:s0], s1  }
0x68: {  	s0 =	simm.s32 @!p0 $0x2  }
0x69: {  	_ =	swait.ge @!p0 [sflag:s0], s1  }
0x6a: {  	s1 =	ssub.s32 @!p0 $0x0, s1;
	[sflag:s0] =	ssyncset.done @!p0 $0x0  }
0x6b: {  	[sflag:s0] =	ssyncadd.s32 @!p0 s1  }
0x6c: {  	[bflag:$0x3] =	sbarrier.arrive $0xFFFF  }
0x6d: {  	_ =	shalt  }

// kernel: kernel.14.cloned.1.call-start
scs
__scs_entry_jumppad:
0x0: {  	(pc) =	sbr.rel $0x88, $3  }
0x1: {  	(tag) =	ssettag $0x0;
	lr =	simm.s32 $0x1  }
0x2: {  	[smem:$0x3F9B] =	sst lr;
	_ =	strace $0xD0000000  }
0x3: {  	_ = 	snop  }
0x4: {  	_ = 	snop  }
0x5: {  	_ = 	snop  }
0x6: {  	_ = 	snop  }
0x7: {  	_ = 	snop  }
__scs_overlays_trampoline_lowered:
0x8: {  	[smem:$0x3FAA] =	sst s0  }
0x9: {  	[smem:$0x3FAB] =	sst s1  }
0xa: {  	[smem:$0x3FAC] =	sst s2  }
0xb: {  	[smem:$0x3FAD] =	sst s3  }
0xc: {  	[smem:$0x3FAE] =	sst s4  }
0xd: {  	[smem:$0x3FAF] =	sst s5  }
0xe: {  	[smem:$0x3FB0] =	sst s6  }
0xf: {  	[smem:$0x3FB1] =	sst s7  }
0x10: {  	[smem:$0x3FB2] =	sst s8  }
0x11: {  	[smem:$0x3FB3] =	sst s9;
	s0 =	simm.s32 @!p0 $0x0  }
0x12: {  	s1 =	sld [smem:$0x3F99];
	s0 =	simm.s32 @p0 $0x1  }
0x13: {  	[smem:$0x3FB4] =	sst s0;
	s0 =	simm.s32 @!p1 $0x0  }
0x14: {  	s2 =	sld [smem:$0x3F98];
	s0 =	simm.s32 @p1 $0x1  }
0x15: {  	[smem:$0x3FB5] =	sst s0;
	s0 =	simm.s32 @!p2 $0x0  }
0x16: {  	s3 =	sld [smem:$0x3FDB];
	s0 =	simm.s32 @p2 $0x1  }
0x17: {  	s4 =	simm.s32 $0x1BF5;
	[smem:$0x3FB7] =	sst s0  }
0x18: {  	s0 =	sld [smem:$0x3F9A];
	_ =	swait.ge [sflag:s4], $0x0  }
0x19: {  	s7 =	sld [smem:$0x3F9B]  }
0x1a: {  	s8 =	sadd.s32 $0xFFFFE003, lr  }
0x1b: {  	s9 =	sadd.s32 $0xFFFFFEF7, lr;
	s5 =	simm.s32 $0xFFFFFFFF;
	p2 =	slt.u32 s8, $0xFFFFF086  }
0x1c: {  	p1 =	slt.u32 s9, $0xF7A;
	s5 =	simm.s32 @!p2 $0x0  }
0x1d: {  	s5 =	simm.s32 @p1 $0x1;
	p0 =	seq.s32 s7, s2  }
0x1e: {  	s7 =	smul.u32 @!p0 $0xF7A, s2;
	p2 =	seq.s32 @!p0 s5, $0x0  }
0x1f: {  	s9 =	smul.u32 $0xF7A, s1;
	s8 =	simm.s32 @!p0 $0x1BF5;
	p2 =	por !p2, p0  }
0x20: {  	[sflag:s8] =	ssyncset.s32 @!p0 $0xFFFFF086;
	s6 =	sadd.s32 @!p0 s3, s7;
	s7 =	simm.s32 @!p0 $0x108  }
0x21: {  	s3 =	sadd.s32 s3, s9;
	s6 =	sadd.s32 @!p0 $0x88, s6;
	s7 =	simm.s32 @p2 $0x1082  }
0x22: {  	[simem:s7], [sflag:s8] =	dma.local @!p0 [hbm:s6], $0xF7A  }
0x23: {  	s9 =	sor.u32 $0xD0000000, s2;
	s6 =	simm.s32 $0x108;
	_ =	swait.ge @!p0 [sflag:s8], $0x0  }
0x24: {  	s3 =	sadd.s32 $0x88, s3;
	s6 =	simm.s32 @!p1 $0x1082;
	[sflag:s4] =	ssyncset.s32 $0xFFFFF086  }
0x25: {  	[simem:s6], [sflag:s4] =	dma.local [hbm:s3], $0xF7A  }
0x26: {  	[smem:$0x3F9B] =	sst s1;
	(tag) =	ssettag s2;
	_ =	strace s9  }
0x27: {  	s1 =	sld [smem:$0x3FAB]  }
0x28: {  	s2 =	sld [smem:$0x3FAC]  }
0x29: {  	s4 =	sld [smem:$0x3FAE]  }
0x2a: {  	p0 =	seq.s32 s5, $0x0;
	s5 =	sld [smem:$0x3FAF]  }
0x2b: {  	s6 =	sld [smem:$0x3FB0]  }
0x2c: {  	s7 =	sld [smem:$0x3FB1]  }
0x2d: {  	s3 =	simm.s32 $0x108;
	s8 =	sld [smem:$0x3FB2]  }
0x2e: {  	s3 =	simm.s32 @!p0 $0x1082;
	s9 =	sld [smem:$0x3FB3]  }
0x2f: {  	lr =	sadd.s32 s0, s3;
	s0 =	sld [smem:$0x3FAA]  }
0x30: {  	s3 =	sld [smem:$0x3FAD]  }
0x31: {  	[smem:$0x3FB6] =	sst s10  }
0x32: {  	s10 =	sld [smem:$0x3FB4];
	_ =	sdelay $0x3  }
0x33: {  	p0 =	seq.s32 s10, $0x1;
	s10 =	sld [smem:$0x3FB6];
	_ =	sdelay $0x3  }
0x34: {  	[smem:$0x3FB6] =	sst s10  }
0x35: {  	s10 =	sld [smem:$0x3FB5];
	_ =	sdelay $0x3  }
0x36: {  	p1 =	seq.s32 s10, $0x1;
	s10 =	sld [smem:$0x3FB6];
	_ =	sdelay $0x3  }
0x37: {  	[smem:$0x3FB6] =	sst s10  }
0x38: {  	s10 =	sld [smem:$0x3FB7]  }
0x39: {  	_ = 	snop;
	(pc) =	sbr.ind lr, $3  }
0x3a: {  	_ = 	snop  }
0x3b: {  	_ = 	snop  }
0x3c: {  	p2 =	seq.s32 s10, $0x1;
	s10 =	sld [smem:$0x3FB6]  }
0x3d: {  	_ =	shalt  }
0x3e: {  	_ =	shalt  }
0x3f: {  	_ =	shalt  }
0x40: {  	_ =	shalt  }
0x41: {  	_ =	shalt  }
0x42: {  	_ =	shalt  }
0x43: {  	_ =	shalt  }
0x44: {  	_ =	shalt  }
0x45: {  	_ =	shalt  }
0x46: {  	_ =	shalt  }
0x47: {  	_ =	shalt  }
0x48: {  	_ =	shalt  }
0x49: {  	_ =	shalt  }
0x4a: {  	_ =	shalt  }
0x4b: {  	_ =	shalt  }
0x4c: {  	_ =	shalt  }
0x4d: {  	_ =	shalt  }
0x4e: {  	_ =	shalt  }
0x4f: {  	_ =	shalt  }
0x50: {  	_ =	shalt  }
0x51: {  	_ =	shalt  }
0x52: {  	_ =	shalt  }
0x53: {  	_ =	shalt  }
0x54: {  	_ =	shalt  }
0x55: {  	_ =	shalt  }
0x56: {  	_ =	shalt  }
0x57: {  	_ =	shalt  }
0x58: {  	_ =	shalt  }
0x59: {  	_ =	shalt  }
0x5a: {  	_ =	shalt  }
0x5b: {  	_ =	shalt  }
0x5c: {  	_ =	shalt  }
0x5d: {  	_ =	shalt  }
0x5e: {  	_ =	shalt  }
0x5f: {  	_ =	shalt  }
0x60: {  	_ =	shalt  }
0x61: {  	_ =	shalt  }
0x62: {  	_ =	shalt  }
0x63: {  	_ =	shalt  }
0x64: {  	_ =	shalt  }
0x65: {  	_ =	shalt  }
0x66: {  	_ =	shalt  }
0x67: {  	_ =	shalt  }
0x68: {  	_ =	shalt  }
0x69: {  	_ =	shalt  }
0x6a: {  	_ =	shalt  }
0x6b: {  	_ =	shalt  }
0x6c: {  	_ =	shalt  }
0x6d: {  	_ =	shalt  }
0x6e: {  	_ =	shalt  }
0x6f: {  	_ =	shalt  }
0x70: {  	_ =	shalt  }
0x71: {  	_ =	shalt  }
0x72: {  	_ =	shalt  }
0x73: {  	_ =	shalt  }
0x74: {  	_ =	shalt  }
0x75: {  	_ =	shalt  }
0x76: {  	_ =	shalt  }
0x77: {  	_ =	shalt  }
0x78: {  	_ =	shalt  }
0x79: {  	_ =	shalt  }
0x7a: {  	_ =	shalt  }
0x7b: {  	_ =	shalt  }
0x7c: {  	_ =	shalt  }
0x7d: {  	_ =	shalt  }
0x7e: {  	_ =	shalt  }
0x7f: {  	_ =	shalt  }
0x80: {  	_ =	shalt  }
0x81: {  	_ =	shalt  }
0x82: {  	_ =	shalt  }
0x83: {  	_ =	shalt  }
0x84: {  	_ =	shalt  }
0x85: {  	_ =	shalt  }
0x86: {  	_ =	shalt  }
0x87: {  	_ =	shalt  }
.Lfunc_end0:
.L_simem_size_0:
called_computation.2_lowered:
.L_overlay_start_0:
0x88: {  	s2 =	sld [smem:$0x3FD9]  }
0x89: {  	s3 =	sld [smem:$0x3FFE];
	_ =	sdelay $0x1  }
0x8a: {  	s1 =	srdreg.scid  }
0x8b: {  	s0 =	sand.u32 $0x1, s1  }
0x8c: {  	s17 =	sshll.u32 s0, $0xA;
	s2 =	sadd.s32 s3, s2  }
0x8d: {  	s2 =	sadd.s32 s2, s17  }
0x8e: {  	[smem:$0x3FC2] =	sst s2  }
0x8f: {  	_ = 	snop  }
0x90: {  	s2 =	sld [smem:$0x3FD0];
	(tm) =	ssettm $0x1  }
0x91: {  	s18 =	sld [smem:$0x3FFB];
	_ =	sdelay $0x3  }
0x92: {  	_ =	strace s18  }
0x93: {  	s3 =	sld [smem:$0x3FFC];
	_ =	sdelay $0x3  }
0x94: {  	_ =	strace s3  }
0x95: {  	s3 =	sld [smem:$0x3FFD];
	_ =	sdelay $0x3  }
0x96: {  	_ =	strace s3  }
0x97: {  	_ =	strace $0x8FFFFFFF  }
0x98: {  	s19 =	sld [smem:$0x3FDB];
	_ =	sdelay $0x1  }
0x99: {  	s4 =	simm.s32 $_scs_section_size  }
0x9a: {  	s5 =	simm.s32 $_size__tile_overlayer_lowered;
	s6 =	simm.s32 $_tile_overlayer_lowered  }
0x9b: {  	s22 =	simm.s32 $0x1BFF;
	s21 =	sshll.u32 s6, $0x1;
	s3 =	sadd.s32 s4, s19  }
0x9c: {  	s7 =	simm.s32 $0x0;
	s20 =	sshll.u32 s5, $0x1;
	s5 =	sadd.s32 s21, s3  }
0x9d: {  	[timem:s7], [sflag:s22] =	dma.local [hbm:s5], s20  }
0x9e: {  	_ =	swait.ge [sflag:s22], s20  }
0x9f: {  	s4 =	ssub.s32 $0x0, s20;
	[sflag:s22] =	ssyncset.done $0x0  }
0xa0: {  	[sflag:s22] =	ssyncadd.s32 s4;
	_ =	sdelay $0x1  }
0xa1: {  	s23 =	simm.s32 $0x1B8B  }
0xa2: {  	_ =	swait.ge [sflag:s23], $0x1  }
0xa3: {  	[sflag:s23] =	ssyncset.done $0x0  }
0xa4: {  	s25 =	simm.s32 $0x1B8E;
	s24 =	sld [smem:$0x3FFE];
	[sflag:s23] =	ssyncadd.s32 $0xFFFFFFFF  }
0xa5: {  	s26 =	simm.s32 $execute0_lowered;
	[smem:$0x3FD2] =	sst s25  }
0xa6: {  	s5 =	sshll.u32 s26, $0x1;
	_ =	strace $0x8000004C;
	[dreg:$0x1] =	wrdreg $0xFFFFFFFF  }
0xa7: {  	s28 =	simm.s32 $_size_execute0_lowered;
	s3 =	sadd.s32 s3, s5;
	[dreg:$0x0] =	wrdreg $0x0  }
0xa8: {  	s5 =	sshll.u32 s28, $0x1;
	[dreg:$0x2] =	wrdreg s3  }
0xa9: {  	[dreg:$0x3] =	wrdreg s5  }
0xaa: {  	[dreg:$0x4] =	wrdreg $0xC0  }
0xab: {  	_ =	task [dreg:s7], $0x5FFFF  }
0xac: {  	[dreg:$0x1] =	wrdreg $0xFFFFFFFF  }
0xad: {  	[dreg:$0x0] =	wrdreg $0x60  }
0xae: {  	[dreg:$0x2] =	wrdreg s24  }
0xaf: {  	[dreg:$0x3] =	wrdreg s2  }
0xb0: {  	[dreg:$0x4] =	wrdreg $0x0  }
0xb1: {  	[dreg:$0x5] =	wrdreg $0x9  }
0xb2: {  	_ =	task.clear_ibuf [dreg:s7], $0x6FFFF;
	_ =	strace $0x9000004C  }
0xb3: {  	s29 =	simm.s32 $0x9;
	_ =	strace $0x8000004E  }
0xb4: {  	_ =	swait.ge [sflag:s29], $0x1  }
0xb5: {  	[sflag:s29] =	ssyncadd.s32 $0xFFFFFFFF  }
0xb6: {  	_ =	strace $0x9000004E  }
0xb7: {  	_ =	sfence  }
0xb8: {  	s30 =	sld [smem:$0x0];
	_ =	sdelay $0x2  }
0xb9: {  	s31 =	sshll.u32 s1, $0xD;
	s1 =	sshrl.u32 s1, $0x2  }
0xba: {  	s3 =	sand.u32 $0x4000, s31;
	s1 =	sadd.s32 s1, s30  }
0xbb: {  	s0 =	sor.u32 s3, s0;
	s1 =	sshll.u32 s1, $0x11  }
0xbc: {  	s0 =	sor.u32 s1, s0  }
0xbd: {  	s0 =	sadd.s32 $0x8F2B, s0  }
0xbe: {  	[sflag:s0] =	ssyncadd.remote.s32 $0x1  }
0xbf: {  	_ =	sfence.sel $0xFFFF  }
0xc0: {  	[dreg:$0x0] =	wrdreg $0xFFFFFFFF;
	(pc) =	sbr.abs _section_cstart, $3  }
0xc1: {  	[dreg:$0x1] =	wrdreg $0xFFFFFFFF  }
0xc2: {  	_ =	task.clear_ibuf [dreg:s7], $0x2FFFF;
	_ =	strace $0x9FFFFFFF  }
0xc3: {  	(tm) =	ssettm $0x7FFFFFFF  }
tec
execute0_lowered:
.L_overlay_start_1:
0x0: {  	(tag) =	ssettag $0x1  }
0x1: {  	s6 =	rddreg [dreg:$0x0]  }
0x2: {  	s11 =	rddreg [dreg:$0x1]  }
0x3: {  	s2 =	rddreg [dreg:$0x2]  }
0x4: {  	s0 =	stileid.u32;
	s3 =	srdreg.scid  }
0x5: {  	s1 =	rddreg [dreg:$0x3];
	s15 =	simm.s32 $0x2;
	s16 =	simm.s32 $0x14000  }
0x6: {  	s17 =	simm.s32 $0x16800;
	s18 =	simm.s32 $0x80;
	s4 =	smul.u32 $0x2800, s0  }
0x7: {  	s19 =	simm.s32 $0x1;
	s5 =	sand.u32 $0x1, s3;
	s28 =	smul.u32 $0x14000, s0  }
0x8: {  	s3 =	simm.s32 $0x0;
	s9 =	smul.u32 $0x50000, s0;
	s20 =	sshll.u32 s0, $0x6  }
0x9: {  	p0 =	seq.s32 s5, $0x0;
	s8 =	smul.u32 $0x140000, s5;
	[smem:$0x7FF] =	sst s3  }
0xa: {  	s29 =	ssub.s32 $0x2, s5;
	s20 =	sor.u32 $0x1C02, s20;
	s7 =	sadd.s32 $0x28000, s4  }
0xb: {  	_ =	strace $0x8000004D;
	s30 =	sshrl.u32 s9, $0x2;
	s31 =	sshrl.u32 s29, $0x1  }
0xc: {  	s4 =	smov.u32 @p0 s7;
	s7 =	sadd.s32 s28, s8;
	s5 =	sadd.s32 s30, s2  }
0xd: {  	s14 =	ssub.s32 s29, s31;
	s12 =	sshrl.u32 s4, $0x3;
	s4 =	sadd.s32 $0xD000, s6  }
0xe: {  	s7 =	sshrl.u32 s7, $0x3;
	s8 =	sadd.s32 $0xC000, s5;
	s9 =	sadd.s32 $0x10000, s5  }
0xf: {  	s10 =	sadd.s32 s12, s6;
	s13 =	sadd.s32 s7, s6;
	s6 =	sadd.s32 $0x4000, s5  }
0x10: {  	s7 =	sadd.s32 $0x8000, s5;
	s11 =	sadd.s32 s11, s12;
	s10 =	sadd.s32 $0x2A00, s10  }
0x11: {  	v0 =	vimm.f32 $0.0e+00;
	s12 =	sadd.s32 $0x35000, s13;
	s13 =	smax.u32 s14, $0x1;
	s14 =	simm.s32 $0x19000  }
.LBB2_1:
0x12: {  	s21 =	simm.s32 $0x0;
	s22 =	simm.s32 $0x200  }
.LBB2_2:
0x13: {  	p0 =	sne.s32 s22, $0xFE00;
	[tilespmem:s21+$0x19070] =	vst v0  }
0x14: {  	[tilespmem:s21+$0x19000] =	vst v0  }
0x15: {  	[tilespmem:s21+$0x19010] =	vst v0  }
.Ltmp0:
0x16: {  	[tilespmem:s21+$0x19020] =	vst v0;
	(pc) =	sbr.rel @p0 .LBB2_2-.Ltmp0, $4  }
0x17: {  	[tilespmem:s21+$0x19030] =	vst v0  }
0x18: {  	[tilespmem:s21+$0x19040] =	vst v0  }
0x19: {  	[tilespmem:s21+$0x19050] =	vst v0  }
0x1a: {  	[tilespmem:s21+$0x19060] =	vst v0;
	s21 =	sshra.s32 s22, $0x2;
	s22 =	sadd.s32 $0x200, s22  }
0x1b: {  	[tilespmem:s21+$0x19070] =	vst v0  }
0x1c: {  	[tilespmem:s21+$0x19000] =	vst v0  }
0x1d: {  	[tilespmem:s21+$0x19010] =	vst v0  }
0x1e: {  	[tilespmem:s21+$0x19020] =	vst v0  }
0x1f: {  	[tilespmem:s21+$0x19030] =	vst v0  }
0x20: {  	[tilespmem:s21+$0x19040] =	vst v0  }
0x21: {  	[tilespmem:s21+$0x19050] =	vst v0  }
0x22: {  	[tilespmem:s21+$0x19060] =	vst v0  }
0x23: {  	[spmem:s5] =	stream.linear.scatter [tilespmem:s14], [sflag:$0x2], $0x4000, $0x38;
	[tilespmem:$0x1D000] =	vst v63  }
0x24: {  	_ =	swait.ge [sflag:s15], $0x4000  }
0x25: {  	[sflag:s15] =	ssyncset.done $0x0  }
0x26: {  	[sflag:s15] =	ssyncadd.s32 $0xFFFFC000  }
0x27: {  	[spmem:s6] =	stream.linear.scatter [tilespmem:s14], [sflag:$0x2], $0x4000, $0x38;
	[tilespmem:$0x1D000] =	vst v63  }
0x28: {  	_ =	swait.ge [sflag:s15], $0x4000  }
0x29: {  	[sflag:s15] =	ssyncset.done $0x0  }
0x2a: {  	[sflag:s15] =	ssyncadd.s32 $0xFFFFC000  }
0x2b: {  	[spmem:s7] =	stream.linear.scatter [tilespmem:s14], [sflag:$0x2], $0x4000, $0x38;
	[tilespmem:$0x1D000] =	vst v63  }
0x2c: {  	_ =	swait.ge [sflag:s15], $0x4000  }
0x2d: {  	[sflag:s15] =	ssyncset.done $0x0  }
0x2e: {  	[sflag:s15] =	ssyncadd.s32 $0xFFFFC000  }
0x2f: {  	[spmem:s8] =	stream.linear.scatter [tilespmem:s14], [sflag:$0x2], $0x4000, $0x38;
	[tilespmem:$0x1D000] =	vst v63  }
0x30: {  	_ =	swait.ge [sflag:s15], $0x4000  }
0x31: {  	[sflag:s15] =	ssyncset.done $0x0  }
0x32: {  	[sflag:s15] =	ssyncadd.s32 $0xFFFFC000  }
0x33: {  	[spmem:s9] =	stream.linear.scatter [tilespmem:s14], [sflag:$0x2], $0x4000, $0x38;
	[tilespmem:$0x1D000] =	vst v63  }
0x34: {  	_ =	swait.ge [sflag:s15], $0x4000  }
0x35: {  	[sflag:s15] =	ssyncset.done $0x0  }
0x36: {  	[sflag:s15] =	ssyncadd.s32 $0xFFFFC000  }
0x37: {  	s29 =	simm.s32 $0x0;
	[bflag:$0x0] =	sbarrier.arrive $0xFFFF  }
0x38: {  	[tilespmem:s16], [sflag:$0x2] =	stream.linear.gather [hbm4b:s10+s29], $0x2800, $0x38;
	[tilespmem:$0x1D000] =	vst v63  }
0x39: {  	_ =	swait.ge [sflag:s15], $0x2800  }
0x3a: {  	[sflag:s15] =	ssyncset.done $0x0  }
0x3b: {  	[sflag:s15] =	ssyncadd.s32 $0xFFFFD800  }
0x3c: {  	[tilespmem:s17], [sflag:$0x2] =	stream.linear.gather [hbm4b:s11+s29], $0x2800, $0x38;
	[tilespmem:$0x1D000] =	vst v63  }
0x3d: {  	_ =	swait.ge [sflag:s15], $0x2800  }
0x3e: {  	[sflag:s15] =	ssyncset.done $0x0  }
0x3f: {  	s30 =	simm.s32 $0x14000;
	[sflag:s15] =	ssyncadd.s32 $0xFFFFD800  }
0x40: {  	[tilespmem:s14], [sflag:$0x1] =	stream.indirect.gather [hbm4b:s4+s18], $0x80, s30, s18, $0xb8;
	[tilespmem:$0x1D000] =	vst v63  }
0x41: {  	_ =	swait.ge [sflag:s19], $0x4000  }
0x42: {  	[sflag:s19] =	ssyncset.done $0x0  }
0x43: {  	s31 =	simm.s32 $0x16800;
	[sflag:s19] =	ssyncadd.s32 $0xFFFFC000  }
0x44: {  	[spmem:s2] =	stream.indirect.scatter.add.f32 [tilespmem:s14], [sflag:$0x2], $0x80, s31, s18, $0xb8;
	[tilespmem:$0x1D000] =	vst v63  }
0x45: {  	_ =	swait.ge [sflag:s15], $0x4000  }
0x46: {  	s22 =	simm.s32 $0x400;
	s21 =	simm.s32 $0x80;
	[sflag:s15] =	ssyncset.done $0x0  }
.LBB2_4:
0x47: {  	s23 =	sadd.s32 $0x14000, s21  }
0x48: {  	[sflag:s15] =	ssyncadd.s32 $0xFFFFC000;
	s24 =	smov.u32 s22;
	s25 =	sadd.s32 $0x200, s22  }
0x49: {  	[tilespmem:s14], [sflag:$0x1] =	stream.indirect.gather [hbm4b:s4+s18], $0x80, s23, s18, $0xb8;
	[tilespmem:$0x1D000] =	vst v63  }
0x4a: {  	p0 =	sne.s32 s22, $0x9E00;
	_ =	swait.ge [sflag:s19], $0x4000  }
.Ltmp1:
0x4b: {  	[sflag:s19] =	ssyncset.done $0x0;
	(pc) =	sbr.rel @p0 .LBB2_4-.Ltmp1, $4  }
0x4c: {  	s21 =	sadd.s32 $0x16800, s21;
	[sflag:s19] =	ssyncadd.s32 $0xFFFFC000  }
0x4d: {  	[spmem:s2] =	stream.indirect.scatter.add.f32 [tilespmem:s14], [sflag:$0x2], $0x80, s21, s18, $0xb8;
	[tilespmem:$0x1D000] =	vst v63  }
0x4e: {  	_ =	swait.ge [sflag:s15], $0x4000  }
0x4f: {  	s22 =	smov.u32 s25;
	s21 =	sshra.s32 s24, $0x2;
	[sflag:s15] =	ssyncset.done $0x0  }
0x50: {  	s22 =	sadd.s32 $0x14000, s21;
	[sflag:s15] =	ssyncadd.s32 $0xFFFFC000  }
0x51: {  	[tilespmem:s14], [sflag:$0x1] =	stream.indirect.gather [hbm4b:s4+s18], $0x80, s22, s18, $0xb8;
	[tilespmem:$0x1D000] =	vst v63  }
0x52: {  	_ =	swait.ge [sflag:s19], $0x4000  }
0x53: {  	[sflag:s19] =	ssyncset.done $0x0  }
0x54: {  	s30 =	sadd.s32 $0x16800, s21;
	[sflag:s19] =	ssyncadd.s32 $0xFFFFC000  }
0x55: {  	[spmem:s2] =	stream.indirect.scatter.add.f32 [tilespmem:s14], [sflag:$0x2], $0x80, s30, s18, $0xb8;
	[tilespmem:$0x1D000] =	vst v63  }
0x56: {  	_ =	swait.ge [sflag:s15], $0x4000  }
0x57: {  	s3 =	sadd.s32 $0x1, s3;
	[sflag:s15] =	ssyncset.done $0x0  }
0x58: {  	p0 =	sne.s32 s3, s13;
	[sflag:s15] =	ssyncadd.s32 $0xFFFFC000  }
.Ltmp2:
0x59: {  	s31 =	sshrl.u32 s5, $0x3;
	[bflag:$0x0] =	sbarrier.arrive $0xFFFF;
	(pc) =	sbr.rel @p0 .LBB2_1-.Ltmp2, $4  }
0x5a: {  	[hbm:s12], [sflag:s20] =	dma.local [spmem:s31], $0x2800  }
0x5b: {  	_ =	swait.ge [sflag:s15], $0x2800  }
0x5c: {  	[sflag:s15] =	ssyncset.done $0x0  }
0x5d: {  	[sflag:s15] =	ssyncadd.s32 $0xFFFFD800  }
0x5e: {  	_ =	sfence.sel $0x180000  }
0x5f: {  	[bflag:$0x0] =	sbarrier.arrive $0xFFFF  }
0x60: {  	p0 =	sne.s32 s0, $0x0;
	_ =	strace $0x9000004D  }
0x61: {  	s0 =	sadd.s32 @!p0 $0x100000, s1;
	[bflag:$0x2] =	sbarrier.arrive $0xFFFF  }
0x62: {  	[sflag:s0] =	ssyncadd.tile.s32 @!p0 $0x1;
	_ =	shalt  }
.Lfunc_end2:
_tile_overlayer_lowered:
.L_overlay_start_2:
0x63: {  	(tag) =	ssettag $0x2  }
0x64: {  	s0 =	rddreg [dreg:$0x0];
	s2 =	stileid.u32  }
0x65: {  	s1 =	rddreg [dreg:$0x1];
	p0 =	sne.s32 s2, $0x0  }
0x66: {  	s3 =	rddreg [dreg:$0x2];
	[bflag:$0x3] =	sbarrier.arrive $0xFFFF;
	s2 =	simm.s32 @!p0 $0x1C02  }
0x67: {  	[timem:s3], [sflag:s2] =	dma.local @!p0 [hbm:s0], s1  }
0x68: {  	s0 =	simm.s32 @!p0 $0x2  }
0x69: {  	_ =	swait.ge @!p0 [sflag:s0], s1  }
0x6a: {  	s1 =	ssub.s32 @!p0 $0x0, s1;
	[sflag:s0] =	ssyncset.done @!p0 $0x0  }
0x6b: {  	[sflag:s0] =	ssyncadd.s32 @!p0 s1  }
0x6c: {  	[bflag:$0x3] =	sbarrier.arrive $0xFFFF  }
0x6d: {  	_ =	shalt  }

// kernel: kernel.8.cloned.1.call-start
scs
__scs_entry_jumppad:
0x0: {  	(pc) =	sbr.rel $0x88, $3  }
0x1: {  	(tag) =	ssettag $0x0;
	lr =	simm.s32 $0x1  }
0x2: {  	[smem:$0x3F9B] =	sst lr;
	_ =	strace $0xD0000000  }
0x3: {  	_ = 	snop  }
0x4: {  	_ = 	snop  }
0x5: {  	_ = 	snop  }
0x6: {  	_ = 	snop  }
0x7: {  	_ = 	snop  }
__scs_overlays_trampoline_lowered:
0x8: {  	[smem:$0x3FAA] =	sst s0  }
0x9: {  	[smem:$0x3FAB] =	sst s1  }
0xa: {  	[smem:$0x3FAC] =	sst s2  }
0xb: {  	[smem:$0x3FAD] =	sst s3  }
0xc: {  	[smem:$0x3FAE] =	sst s4  }
0xd: {  	[smem:$0x3FAF] =	sst s5  }
0xe: {  	[smem:$0x3FB0] =	sst s6  }
0xf: {  	[smem:$0x3FB1] =	sst s7  }
0x10: {  	[smem:$0x3FB2] =	sst s8  }
0x11: {  	[smem:$0x3FB3] =	sst s9;
	s0 =	simm.s32 @!p0 $0x0  }
0x12: {  	s1 =	sld [smem:$0x3F99];
	s0 =	simm.s32 @p0 $0x1  }
0x13: {  	[smem:$0x3FB4] =	sst s0;
	s0 =	simm.s32 @!p1 $0x0  }
0x14: {  	s2 =	sld [smem:$0x3F98];
	s0 =	simm.s32 @p1 $0x1  }
0x15: {  	[smem:$0x3FB5] =	sst s0;
	s0 =	simm.s32 @!p2 $0x0  }
0x16: {  	s3 =	sld [smem:$0x3FDB];
	s0 =	simm.s32 @p2 $0x1  }
0x17: {  	s4 =	simm.s32 $0x1BF5;
	[smem:$0x3FB7] =	sst s0  }
0x18: {  	s0 =	sld [smem:$0x3F9A];
	_ =	swait.ge [sflag:s4], $0x0  }
0x19: {  	s7 =	sld [smem:$0x3F9B]  }
0x1a: {  	s8 =	sadd.s32 $0xFFFFE003, lr  }
0x1b: {  	s9 =	sadd.s32 $0xFFFFFEF7, lr;
	s5 =	simm.s32 $0xFFFFFFFF;
	p2 =	slt.u32 s8, $0xFFFFF086  }
0x1c: {  	p1 =	slt.u32 s9, $0xF7A;
	s5 =	simm.s32 @!p2 $0x0  }
0x1d: {  	s5 =	simm.s32 @p1 $0x1;
	p0 =	seq.s32 s7, s2  }
0x1e: {  	s7 =	smul.u32 @!p0 $0xF7A, s2;
	p2 =	seq.s32 @!p0 s5, $0x0  }
0x1f: {  	s9 =	smul.u32 $0xF7A, s1;
	s8 =	simm.s32 @!p0 $0x1BF5;
	p2 =	por !p2, p0  }
0x20: {  	[sflag:s8] =	ssyncset.s32 @!p0 $0xFFFFF086;
	s6 =	sadd.s32 @!p0 s3, s7;
	s7 =	simm.s32 @!p0 $0x108  }
0x21: {  	s3 =	sadd.s32 s3, s9;
	s6 =	sadd.s32 @!p0 $0x88, s6;
	s7 =	simm.s32 @p2 $0x1082  }
0x22: {  	[simem:s7], [sflag:s8] =	dma.local @!p0 [hbm:s6], $0xF7A  }
0x23: {  	s9 =	sor.u32 $0xD0000000, s2;
	s6 =	simm.s32 $0x108;
	_ =	swait.ge @!p0 [sflag:s8], $0x0  }
0x24: {  	s3 =	sadd.s32 $0x88, s3;
	s6 =	simm.s32 @!p1 $0x1082;
	[sflag:s4] =	ssyncset.s32 $0xFFFFF086  }
0x25: {  	[simem:s6], [sflag:s4] =	dma.local [hbm:s3], $0xF7A  }
0x26: {  	[smem:$0x3F9B] =	sst s1;
	(tag) =	ssettag s2;
	_ =	strace s9  }
0x27: {  	s1 =	sld [smem:$0x3FAB]  }
0x28: {  	s2 =	sld [smem:$0x3FAC]  }
0x29: {  	s4 =	sld [smem:$0x3FAE]  }
0x2a: {  	p0 =	seq.s32 s5, $0x0;
	s5 =	sld [smem:$0x3FAF]  }
0x2b: {  	s6 =	sld [smem:$0x3FB0]  }
0x2c: {  	s7 =	sld [smem:$0x3FB1]  }
0x2d: {  	s3 =	simm.s32 $0x108;
	s8 =	sld [smem:$0x3FB2]  }
0x2e: {  	s3 =	simm.s32 @!p0 $0x1082;
	s9 =	sld [smem:$0x3FB3]  }
0x2f: {  	lr =	sadd.s32 s0, s3;
	s0 =	sld [smem:$0x3FAA]  }
0x30: {  	s3 =	sld [smem:$0x3FAD]  }
0x31: {  	[smem:$0x3FB6] =	sst s10  }
0x32: {  	s10 =	sld [smem:$0x3FB4];
	_ =	sdelay $0x3  }
0x33: {  	p0 =	seq.s32 s10, $0x1;
	s10 =	sld [smem:$0x3FB6];
	_ =	sdelay $0x3  }
0x34: {  	[smem:$0x3FB6] =	sst s10  }
0x35: {  	s10 =	sld [smem:$0x3FB5];
	_ =	sdelay $0x3  }
0x36: {  	p1 =	seq.s32 s10, $0x1;
	s10 =	sld [smem:$0x3FB6];
	_ =	sdelay $0x3  }
0x37: {  	[smem:$0x3FB6] =	sst s10  }
0x38: {  	s10 =	sld [smem:$0x3FB7]  }
0x39: {  	_ = 	snop;
	(pc) =	sbr.ind lr, $3  }
0x3a: {  	_ = 	snop  }
0x3b: {  	_ = 	snop  }
0x3c: {  	p2 =	seq.s32 s10, $0x1;
	s10 =	sld [smem:$0x3FB6]  }
0x3d: {  	_ =	shalt  }
0x3e: {  	_ =	shalt  }
0x3f: {  	_ =	shalt  }
0x40: {  	_ =	shalt  }
0x41: {  	_ =	shalt  }
0x42: {  	_ =	shalt  }
0x43: {  	_ =	shalt  }
0x44: {  	_ =	shalt  }
0x45: {  	_ =	shalt  }
0x46: {  	_ =	shalt  }
0x47: {  	_ =	shalt  }
0x48: {  	_ =	shalt  }
0x49: {  	_ =	shalt  }
0x4a: {  	_ =	shalt  }
0x4b: {  	_ =	shalt  }
0x4c: {  	_ =	shalt  }
0x4d: {  	_ =	shalt  }
0x4e: {  	_ =	shalt  }
0x4f: {  	_ =	shalt  }
0x50: {  	_ =	shalt  }
0x51: {  	_ =	shalt  }
0x52: {  	_ =	shalt  }
0x53: {  	_ =	shalt  }
0x54: {  	_ =	shalt  }
0x55: {  	_ =	shalt  }
0x56: {  	_ =	shalt  }
0x57: {  	_ =	shalt  }
0x58: {  	_ =	shalt  }
0x59: {  	_ =	shalt  }
0x5a: {  	_ =	shalt  }
0x5b: {  	_ =	shalt  }
0x5c: {  	_ =	shalt  }
0x5d: {  	_ =	shalt  }
0x5e: {  	_ =	shalt  }
0x5f: {  	_ =	shalt  }
0x60: {  	_ =	shalt  }
0x61: {  	_ =	shalt  }
0x62: {  	_ =	shalt  }
0x63: {  	_ =	shalt  }
0x64: {  	_ =	shalt  }
0x65: {  	_ =	shalt  }
0x66: {  	_ =	shalt  }
0x67: {  	_ =	shalt  }
0x68: {  	_ =	shalt  }
0x69: {  	_ =	shalt  }
0x6a: {  	_ =	shalt  }
0x6b: {  	_ =	shalt  }
0x6c: {  	_ =	shalt  }
0x6d: {  	_ =	shalt  }
0x6e: {  	_ =	shalt  }
0x6f: {  	_ =	shalt  }
0x70: {  	_ =	shalt  }
0x71: {  	_ =	shalt  }
0x72: {  	_ =	shalt  }
0x73: {  	_ =	shalt  }
0x74: {  	_ =	shalt  }
0x75: {  	_ =	shalt  }
0x76: {  	_ =	shalt  }
0x77: {  	_ =	shalt  }
0x78: {  	_ =	shalt  }
0x79: {  	_ =	shalt  }
0x7a: {  	_ =	shalt  }
0x7b: {  	_ =	shalt  }
0x7c: {  	_ =	shalt  }
0x7d: {  	_ =	shalt  }
0x7e: {  	_ =	shalt  }
0x7f: {  	_ =	shalt  }
0x80: {  	_ =	shalt  }
0x81: {  	_ =	shalt  }
0x82: {  	_ =	shalt  }
0x83: {  	_ =	shalt  }
0x84: {  	_ =	shalt  }
0x85: {  	_ =	shalt  }
0x86: {  	_ =	shalt  }
0x87: {  	_ =	shalt  }
.Lfunc_end0:
.L_simem_size_0:
called_computation_lowered:
.L_overlay_start_0:
0x88: {  	s2 =	sld [smem:$0x3FD9]  }
0x89: {  	s3 =	sld [smem:$0x3FFE];
	_ =	sdelay $0x1  }
0x8a: {  	s1 =	srdreg.scid  }
0x8b: {  	s0 =	sand.u32 $0x1, s1  }
0x8c: {  	s17 =	sshll.u32 s0, $0xA;
	s2 =	sadd.s32 s3, s2  }
0x8d: {  	s2 =	sadd.s32 s2, s17  }
0x8e: {  	[smem:$0x3FC2] =	sst s2  }
0x8f: {  	_ = 	snop  }
0x90: {  	s2 =	sld [smem:$0x3FD0];
	(tm) =	ssettm $0x1  }
0x91: {  	s18 =	sld [smem:$0x3FFB];
	_ =	sdelay $0x3  }
0x92: {  	_ =	strace s18  }
0x93: {  	s3 =	sld [smem:$0x3FFC];
	_ =	sdelay $0x3  }
0x94: {  	_ =	strace s3  }
0x95: {  	s3 =	sld [smem:$0x3FFD];
	_ =	sdelay $0x3  }
0x96: {  	_ =	strace s3  }
0x97: {  	_ =	strace $0x8FFFFFFF  }
0x98: {  	s19 =	sld [smem:$0x3FDB];
	_ =	sdelay $0x1  }
0x99: {  	s4 =	simm.s32 $_scs_section_size  }
0x9a: {  	s5 =	simm.s32 $_size__tile_overlayer_lowered;
	s6 =	simm.s32 $_tile_overlayer_lowered  }
0x9b: {  	s22 =	simm.s32 $0x1BFF;
	s21 =	sshll.u32 s6, $0x1;
	s3 =	sadd.s32 s4, s19  }
0x9c: {  	s7 =	simm.s32 $0x0;
	s20 =	sshll.u32 s5, $0x1;
	s5 =	sadd.s32 s21, s3  }
0x9d: {  	[timem:s7], [sflag:s22] =	dma.local [hbm:s5], s20  }
0x9e: {  	_ =	swait.ge [sflag:s22], s20  }
0x9f: {  	s4 =	ssub.s32 $0x0, s20;
	[sflag:s22] =	ssyncset.done $0x0  }
0xa0: {  	[sflag:s22] =	ssyncadd.s32 s4;
	_ =	sdelay $0x1  }
0xa1: {  	s23 =	simm.s32 $0x1B8B  }
0xa2: {  	_ =	swait.ge [sflag:s23], $0x1  }
0xa3: {  	[sflag:s23] =	ssyncset.done $0x0  }
0xa4: {  	s25 =	simm.s32 $0x1B8E;
	s24 =	sld [smem:$0x3FFE];
	[sflag:s23] =	ssyncadd.s32 $0xFFFFFFFF  }
0xa5: {  	s26 =	simm.s32 $execute0_lowered;
	[smem:$0x3FD2] =	sst s25  }
0xa6: {  	s5 =	sshll.u32 s26, $0x1;
	_ =	strace $0x80000046;
	[dreg:$0x1] =	wrdreg $0xFFFFFFFF  }
0xa7: {  	s28 =	simm.s32 $_size_execute0_lowered;
	s3 =	sadd.s32 s3, s5;
	[dreg:$0x0] =	wrdreg $0x0  }
0xa8: {  	s5 =	sshll.u32 s28, $0x1;
	[dreg:$0x2] =	wrdreg s3  }
0xa9: {  	[dreg:$0x3] =	wrdreg s5  }
0xaa: {  	[dreg:$0x4] =	wrdreg $0xC0  }
0xab: {  	_ =	task [dreg:s7], $0x5FFFF  }
0xac: {  	[dreg:$0x1] =	wrdreg $0xFFFFFFFF  }
0xad: {  	[dreg:$0x0] =	wrdreg $0x60  }
0xae: {  	[dreg:$0x2] =	wrdreg s2  }
0xaf: {  	[dreg:$0x3] =	wrdreg s24  }
0xb0: {  	[dreg:$0x4] =	wrdreg $0x9  }
0xb1: {  	_ =	task.clear_ibuf [dreg:s7], $0x5FFFF;
	_ =	strace $0x90000046  }
0xb2: {  	s29 =	simm.s32 $0x9;
	_ =	strace $0x80000048  }
0xb3: {  	_ =	swait.ge [sflag:s29], $0x1  }
0xb4: {  	[sflag:s29] =	ssyncadd.s32 $0xFFFFFFFF  }
0xb5: {  	_ =	strace $0x90000048  }
0xb6: {  	_ =	sfence  }
0xb7: {  	s30 =	sld [smem:$0x0];
	_ =	sdelay $0x2  }
0xb8: {  	s31 =	sshll.u32 s1, $0xD;
	s1 =	sshrl.u32 s1, $0x2  }
0xb9: {  	s3 =	sand.u32 $0x4000, s31;
	s1 =	sadd.s32 s1, s30  }
0xba: {  	s0 =	sor.u32 s3, s0;
	s1 =	sshll.u32 s1, $0x11  }
0xbb: {  	s0 =	sor.u32 s1, s0  }
0xbc: {  	s0 =	sadd.s32 $0x8F2B, s0  }
0xbd: {  	[sflag:s0] =	ssyncadd.remote.s32 $0x1  }
0xbe: {  	_ =	sfence.sel $0xFFFF  }
0xbf: {  	[dreg:$0x0] =	wrdreg $0xFFFFFFFF;
	(pc) =	sbr.abs _section_cstart, $3  }
0xc0: {  	[dreg:$0x1] =	wrdreg $0xFFFFFFFF  }
0xc1: {  	_ =	task.clear_ibuf [dreg:s7], $0x2FFFF;
	_ =	strace $0x9FFFFFFF  }
0xc2: {  	(tm) =	ssettm $0x7FFFFFFF  }
0xc3: {  	_ =	shalt  }
tec
execute0_lowered:
.L_overlay_start_1:
0x0: {  	(tag) =	ssettag $0x1  }
0x1: {  	s4 =	rddreg [dreg:$0x0];
	s1 =	srdreg.scid  }
0x2: {  	s0 =	stileid.u32;
	s5 =	rddreg [dreg:$0x1]  }
0x3: {  	s9 =	simm.s32 $0x80;
	s10 =	simm.s32 $0x400;
	s11 =	simm.s32 $0x0  }
0x4: {  	s3 =	sand.u32 $0x1, s1;
	s2 =	sshll.u32 s0, $0x1;
	s1 =	rddreg [dreg:$0x2]  }
0x5: {  	s7 =	sshrl.u32 s0, $0x2;
	s6 =	sor.u32 s3, s2;
	s2 =	simm.s32 $0x0  }
0x6: {  	s7 =	smul.u32 $0x14000, s7;
	s30 =	ssub.s32 $0x2, s3;
	s8 =	sshll.u32 s6, $0x7  }
0x7: {  	s3 =	sadd.s32 $0xD000, s5;
	s6 =	smul.u32 $0x500, s6;
	s8 =	sand.u32 $0x380, s8  }
0x8: {  	[smem:$0x7FF] =	sst s2;
	s31 =	sshrl.u32 s30, $0x1;
	s7 =	sor.u32 s7, s8  }
0x9: {  	_ =	strace $0x80000047;
	s4 =	sadd.s32 s4, s6;
	s7 =	sshrl.u32 s7, $0x3  }
0xa: {  	s8 =	simm.s32 $0x1;
	s5 =	sadd.s32 s7, s5;
	s7 =	ssub.s32 s30, s31  }
0xb: {  	v0 =	vimm.f32 $1.000000000e+00;
	s5 =	sadd.s32 $0xD600, s5;
	s6 =	smax.u32 s7, $0x1;
	s7 =	simm.s32 $0x2800  }
.LBB2_1:
0xc: {  	[tilespmem:s7], [sflag:$0x1] =	stream.linear.gather [hbm4b:s3+s2], $0x2800, $0x38;
	[tilespmem:$0x5000] =	vst v63  }
0xd: {  	_ =	swait.ge [sflag:s8], $0x2800  }
0xe: {  	[sflag:s8] =	ssyncset.done $0x0  }
0xf: {  	[sflag:s8] =	ssyncadd.s32 $0xFFFFD800  }
0x10: {  	[tilespmem:s2], [sflag:$0x1] =	stream.linear.gather [hbm4b:s4+s2], $0x2800, $0x38;
	[tilespmem:$0x5000] =	vst v63  }
0x11: {  	_ =	swait.ge [sflag:s8], $0x2800  }
0x12: {  	[sflag:s8] =	ssyncset.done $0x0  }
0x13: {  	s12 =	simm.s32 $0x0;
	[sflag:s8] =	ssyncadd.s32 $0xFFFFD800  }
.LBB2_2:
0x14: {  	s13 =	sshra.s32 s12, $0x2  }
0x15: {  	v1 =	vld [tilespmem:s13+$0x0];
	_ =	sdelay $0x7  }
0x16: {  	[tilespmem:v1+s7+$0x0] =	vst.idx.add.f32.msk $0xffff, v0  }
0x17: {  	v1 =	vld [tilespmem:s13+$0x10];
	_ =	sdelay $0x7  }
0x18: {  	[tilespmem:v1+s7+$0x0] =	vst.idx.add.f32.msk $0xffff, v0  }
0x19: {  	v1 =	vld [tilespmem:s13+$0x20];
	_ =	sdelay $0x7  }
0x1a: {  	[tilespmem:v1+s7+$0x0] =	vst.idx.add.f32.msk $0xffff, v0  }
0x1b: {  	v1 =	vld [tilespmem:s13+$0x30];
	_ =	sdelay $0x7  }
0x1c: {  	[tilespmem:v1+s7+$0x0] =	vst.idx.add.f32.msk $0xffff, v0  }
0x1d: {  	v1 =	vld [tilespmem:s13+$0x40];
	_ =	sdelay $0x7  }
0x1e: {  	[tilespmem:v1+s7+$0x0] =	vst.idx.add.f32.msk $0xffff, v0  }
0x1f: {  	v1 =	vld [tilespmem:s13+$0x50];
	_ =	sdelay $0x7  }
0x20: {  	[tilespmem:v1+s7+$0x0] =	vst.idx.add.f32.msk $0xffff, v0  }
0x21: {  	v1 =	vld [tilespmem:s13+$0x60];
	_ =	sdelay $0x7  }
0x22: {  	[tilespmem:v1+s7+$0x0] =	vst.idx.add.f32.msk $0xffff, v0  }
0x23: {  	v1 =	vld [tilespmem:s13+$0x70];
	_ =	sdelay $0x2  }
0x24: {  	p0 =	sne.s32 s12, $0x9E00  }
.Ltmp0:
0x25: {  	_ = 	snop;
	(pc) =	sbr.rel @p0 .LBB2_2-.Ltmp0, $2  }
0x26: {  	_ =	sdelay $0x2  }
0x27: {  	s12 =	sadd.s32 $0x200, s12;
	[tilespmem:v1+s7+$0x0] =	vst.idx.add.f32.msk $0xffff, v0  }
0x28: {  	s11 =	sadd.s32 $0x1, s11  }
0x29: {  	p0 =	sne.s32 s11, s6  }
.Ltmp1:
0x2a: {  	_ = 	snop;
	(pc) =	sbr.rel @p0 .LBB2_1-.Ltmp1, $4  }
0x2b: {  	[hbm4b:s5+s9] =	stream.strided.scatter [tilespmem:s7], [sflag:$0x1], $0x2800, s10, s9, $0x38;
	[tilespmem:$0x5000] =	vst v63  }
0x2c: {  	_ =	swait.ge [sflag:s8], $0x2800  }
0x2d: {  	[sflag:s8] =	ssyncset.done $0x0  }
0x2e: {  	[sflag:s8] =	ssyncadd.s32 $0xFFFFD800  }
0x2f: {  	_ =	sfence.sel $0x180000  }
0x30: {  	[bflag:$0x0] =	sbarrier.arrive $0xFFFF  }
0x31: {  	p0 =	sne.s32 s0, $0x0;
	_ =	strace $0x90000047  }
0x32: {  	s0 =	sadd.s32 @!p0 $0x100000, s1;
	[bflag:$0x2] =	sbarrier.arrive $0xFFFF  }
0x33: {  	[sflag:s0] =	ssyncadd.tile.s32 @!p0 $0x1;
	_ =	shalt  }
.Lfunc_end2:
_tile_overlayer_lowered:
.L_overlay_start_2:
0x34: {  	(tag) =	ssettag $0x2  }
0x35: {  	s0 =	rddreg [dreg:$0x0];
	s2 =	stileid.u32  }
0x36: {  	s1 =	rddreg [dreg:$0x1];
	p0 =	sne.s32 s2, $0x0  }
0x37: {  	s3 =	rddreg [dreg:$0x2];
	[bflag:$0x3] =	sbarrier.arrive $0xFFFF;
	s2 =	simm.s32 @!p0 $0x1C01  }
0x38: {  	[timem:s3], [sflag:s2] =	dma.local @!p0 [hbm:s0], s1  }
0x39: {  	s0 =	simm.s32 @!p0 $0x1  }
0x3a: {  	_ =	swait.ge @!p0 [sflag:s0], s1  }
0x3b: {  	s1 =	ssub.s32 @!p0 $0x0, s1;
	[sflag:s0] =	ssyncset.done @!p0 $0x0  }
0x3c: {  	[sflag:s0] =	ssyncadd.s32 @!p0 s1  }
0x3d: {  	[bflag:$0x3] =	sbarrier.arrive $0xFFFF  }
0x3e: {  	_ =	shalt  }

</sc_bundles>
